<compile_context>
chip_gen: v7x
topology: tpu7x:2x2x1
jax: 0.10.2.dev20260603
libtpu: 0.0.44.dev20260713+nightly
codegen_flags: <defaults>
</compile_context>

<pallas_src>
import functools

import jax
import jax.numpy as jnp
from jax import lax
from jax.experimental import pallas as pl
from jax.experimental.pallas import tpu as pltpu
from jax.experimental.pallas import tpu_sc as plsc

B = 16384
L = 200
V = 1000000
D = 32
H = 64
NLAB = 10

LH = 128
LT = L - LH
NW = 32
G = 32
VL = 16


def _split_ids(shp_ids, col_ids):
    BR = 512

    def body(s_ref, c_ref, sh_ref, st_ref, ch_ref, ct_ref):
        s = s_ref[...]
        c = c_ref[...]
        cm = jnp.where(s == 0, 0, c)
        sh_ref[...] = s[:, :LH]
        ch_ref[...] = cm[:, :LH]
        zpad = jnp.zeros((BR, LH - LT), jnp.int32)
        st_ref[...] = jnp.concatenate([s[:, LH:], zpad], axis=1)
        ct_ref[...] = jnp.concatenate([cm[:, LH:], zpad], axis=1)

    return pl.pallas_call(
        body,
        grid=(B // BR,),
        in_specs=[
            pl.BlockSpec((BR, L), lambda i: (i, 0)),
            pl.BlockSpec((BR, L), lambda i: (i, 0)),
        ],
        out_specs=[
            pl.BlockSpec((BR, LH), lambda i: (i, 0)),
            pl.BlockSpec((BR, LH), lambda i: (i, 0)),
            pl.BlockSpec((BR, LH), lambda i: (i, 0)),
            pl.BlockSpec((BR, LH), lambda i: (i, 0)),
        ],
        out_shape=[
            jax.ShapeDtypeStruct((B, LH), jnp.int32),
            jax.ShapeDtypeStruct((B, LH), jnp.int32),
            jax.ShapeDtypeStruct((B, LH), jnp.int32),
            jax.ShapeDtypeStruct((B, LH), jnp.int32),
        ],
    )(shp_ids, col_ids)


def _sc_pool(idh, idt, table, tag):
    spw = B // NW
    nch = spw // G
    mesh = plsc.VectorSubcoreMesh(core_axis_name="c", subcore_axis_name="s")

    @functools.partial(
        pl.kernel,
        out_type=jax.ShapeDtypeStruct((B, D), jnp.float32),
        mesh=mesh,
        compiler_params=pltpu.CompilerParams(use_tc_tiling_on_sc=False),
        scratch_types=[
            pltpu.VMEM((G, LH), jnp.int32),
            pltpu.VMEM((G, LH), jnp.int32),
            pltpu.VMEM((L, D), jnp.float32),
            pltpu.VMEM((L, D), jnp.float32),
            pltpu.VMEM((G, D), jnp.float32),
            pltpu.SemaphoreType.DMA,
            pltpu.SemaphoreType.DMA,
        ],
    )
    def pool(idh_hbm, idt_hbm, tab_hbm, out_hbm,
             idx_h, idx_t, rows_0, rows_1, feat_v, sem_0, sem_1):
        wid = lax.axis_index("s") * 2 + lax.axis_index("c")
        wbase = wid * spw
        bufs = ((rows_0, sem_0), (rows_1, sem_1))

        def descs(g, b):
            rows, sem = bufs[b]
            return (
                pltpu.make_async_copy(
                    tab_hbm.at[idx_h.at[g]],
                    rows.at[pl.ds(0, LH)], sem),
                pltpu.make_async_copy(
                    tab_hbm.at[idx_t.at[g, pl.ds(0, LT)]],
                    rows.at[pl.ds(LH, LT)], sem),
            )

        def issue(g, b):
            for d in descs(g, b):
                d.start()

        def wait(g, b):
            for d in descs(g, b):
                d.wait()

        def accumulate(g, b):
            rows, _ = bufs[b]

            def acc_body(l, carry):
                a0, a1 = carry
                a0 = a0 + rows[l, pl.ds(0, VL)]
                a1 = a1 + rows[l, pl.ds(VL, VL)]
                return (a0, a1)

            z = jnp.zeros((VL,), jnp.float32)
            a0, a1 = lax.fori_loop(0, L, acc_body, (z, z), unroll=8)
            feat_v[g, pl.ds(0, VL)] = a0
            feat_v[g, pl.ds(VL, VL)] = a1

        def chunk_body(ch_i, _):
            rbase = pl.multiple_of(wbase + ch_i * G, 8)
            pltpu.sync_copy(idh_hbm.at[pl.ds(rbase, G)], idx_h)
            pltpu.sync_copy(idt_hbm.at[pl.ds(rbase, G)], idx_t)


            issue(0, 0)
            issue(1, 1)

            def pair_body(pp, _):
                for b in range(2):
                    g = pp * 2 + b
                    wait(g, b)
                    accumulate(g, b)
                    issue(g + 2, b)
                return 0

            lax.fori_loop(0, G // 2 - 1, pair_body, 0)
            for b in range(2):
                g = G - 2 + b
                wait(g, b)
                accumulate(g, b)

            pltpu.sync_copy(feat_v, out_hbm.at[pl.ds(wbase + ch_i * G, G)])
            return 0

        lax.fori_loop(0, nch, chunk_body, 0)

    del tag
    return pool(idh, idt, table)


def _mlp(feat_s, feat_c, lens_col, W1, b1, W2, b2):
    Bb = 2048

    def body(fs_ref, fc_ref, lens_ref, w1s_ref, w1c_ref, b1_ref, w2_ref,
             b2_ref, out_ref):
        inv = 1.0 / lens_ref[...]
        h = (jnp.dot(fs_ref[...], w1s_ref[...],
                     preferred_element_type=jnp.float32)
             + jnp.dot(fc_ref[...], w1c_ref[...],
                       preferred_element_type=jnp.float32))
        h = jnp.maximum(h * inv + b1_ref[...], 0.0)
        out_ref[...] = (
            jnp.dot(h, w2_ref[...], preferred_element_type=jnp.float32)
            + b2_ref[...]
        )

    return pl.pallas_call(
        body,
        grid=(B // Bb,),
        in_specs=[
            pl.BlockSpec((Bb, D), lambda i: (i, 0)),
            pl.BlockSpec((Bb, D), lambda i: (i, 0)),
            pl.BlockSpec((Bb, 1), lambda i: (i, 0)),
            pl.BlockSpec((D, H), lambda i: (0, 0)),
            pl.BlockSpec((D, H), lambda i: (0, 0)),
            pl.BlockSpec((1, H), lambda i: (0, 0)),
            pl.BlockSpec((H, NLAB), lambda i: (0, 0)),
            pl.BlockSpec((1, NLAB), lambda i: (0, 0)),
        ],
        out_specs=pl.BlockSpec((Bb, NLAB), lambda i: (i, 0)),
        out_shape=jax.ShapeDtypeStruct((B, NLAB), jnp.float32),
    )(feat_s, feat_c, lens_col, W1[:D], W1[D:], b1.reshape(1, H), W2,
      b2.reshape(1, NLAB))


def kernel(shp_ids, col_ids, lens, shape_table, color_table, W1, b1, W2, b2):
    sh, st, ch, ct = _split_ids(shp_ids, col_ids)
    feat_s = _sc_pool(sh, st, shape_table, "shape")
    feat_c = _sc_pool(ch, ct, color_table, "color")
    lens_col = lens.astype(jnp.float32).reshape(B, 1)
    return _mlp(feat_s, feat_c, lens_col, W1, b1, W2, b2)

# --- scband reference (transcript-rebuilt; emitter-appended) ---
"""Pipeline reference for scband-dual-embed-classifier-88648124990833 (READ-ONLY COPY).

The authoritative reference and input builder live on the scoring server;
editing this copy changes nothing except your own understanding.
"""

import jax, jax.numpy as jnp
import numpy as np

B = 16384
L = 200
V = 1000000
D = 32
H = 64
NLAB = 10


def setup_inputs(seed: int = 0) -> dict:
    key = jax.random.key(seed)
    k1, k2, k3, k4, k5, k6, k7 = jax.random.split(key, 7)
    shp_ids = jax.random.randint(k1, (B, L), 0, V, dtype=jnp.int32)
    col_ids = jax.random.randint(k2, (B, L), 0, V, dtype=jnp.int32)
    # lens clamped to >=1 to avoid division by zero (realistic: at least 1 valid token)
    lens = jnp.maximum(jax.random.randint(k3, (B,), 0, L, dtype=jnp.int32), 1)
    # learned parameters
    shape_table = (jax.random.normal(k4, (V, D), dtype=jnp.float32) * 0.02).at[0].set(0.0)  # padding_idx=0
    color_table = (jax.random.normal(k5, (V, D), dtype=jnp.float32) * 0.02).at[0].set(0.0)  # padding_idx=0
    W1 = jax.random.normal(k6, (2 * D, H), dtype=jnp.float32) * (1.0 / np.sqrt(2 * D))
    b1 = jnp.zeros((H,), dtype=jnp.float32)
    W2 = jax.random.normal(k7, (H, NLAB), dtype=jnp.float32) * (1.0 / np.sqrt(H))
    b2 = jnp.zeros((NLAB,), dtype=jnp.float32)
    return {
        "shp_ids": shp_ids,
        "col_ids": col_ids,
        "lens": lens,
        "shape_table": shape_table,
        "color_table": color_table,
        "W1": W1,
        "b1": b1,
        "W2": W2,
        "b2": b2,
    }


def reference(shp_ids, col_ids, lens, shape_table, color_table, W1, b1, W2, b2):
    # mask derived from shp_ids (faithful to original: same mask used for both embeddings)
    mask = (shp_ids != 0)[..., None].astype(jnp.float32)  # [B, L, 1]
    lensf = lens.astype(jnp.float32)[:, None]  # [B, 1]
    shp_emb = jnp.take(shape_table, shp_ids, axis=0)  # [B, L, D]
    col_emb = jnp.take(color_table, col_ids, axis=0)  # [B, L, D]
    shp_mean = (shp_emb * mask).sum(axis=1) / lensf  # [B, D]
    col_mean = (col_emb * mask).sum(axis=1) / lensf  # [B, D]
    feat = jnp.concatenate([shp_mean, col_mean], axis=1)  # [B, 2D]
    h = jnp.maximum(feat @ W1 + b1, 0.0)
    out = h @ W2 + b2
    return out

if __name__ == "__main__":
    import jax
    _d = setup_inputs()
    print(jax.jit(kernel)(*tuple(_d.values())))

</pallas_src>

<mosaic_0001>
#map = affine_map<(d0, d1) -> (0, 0)>
module attributes {stable_mosaic.version = 14 : i64} {
  func.func @pool(%arg0: i32, %arg1: i32, %arg2: memref<16384x128xi32, #tpu.memory_space<hbm>>, %arg3: memref<16384x128xi32, #tpu.memory_space<hbm>>, %arg4: memref<1000000x32xf32, #tpu.memory_space<hbm>>, %arg5: memref<16384x32xf32, #tpu.memory_space<hbm>>, %arg6: memref<32x128xi32, #tpu.memory_space<vmem>>, %arg7: memref<32x128xi32, #tpu.memory_space<vmem>>, %arg8: memref<200x32xf32, #tpu.memory_space<vmem>>, %arg9: memref<200x32xf32, #tpu.memory_space<vmem>>, %arg10: memref<32x32xf32, #tpu.memory_space<vmem>>, %arg11: memref<!tpu.dma_semaphore, #tpu.memory_space<semaphore_mem>>, %arg12: memref<!tpu.dma_semaphore, #tpu.memory_space<semaphore_mem>>) attributes {dimension_semantics = [#tpu.dimension_semantics<core_parallel>, #tpu.dimension_semantics<subcore_parallel>], iteration_bounds = array<i64: 2, 16>, scalar_prefetch = 0 : i64, scratch_operands = 7 : i64, tpu.core_type = #tpu.core_type<sc_vector_subcore>, window_params = [{transform_indices = #map}, {transform_indices = #map}, {transform_indices = #map}, {transform_indices = #map}]} {
    %mul3A = arith.constant 2 : i32
    %mul3A_0 = arith.muli %arg1, %mul3A : i32
    %add3A = arith.addi %mul3A_0, %arg0 : i32
    %mul3A_1 = arith.constant 512 : i32
    %mul3A_2 = arith.muli %add3A, %mul3A_1 : i32
    %scan3A = arith.constant 0 : i32
    %scan3A_3 = arith.constant 0 : i32
    %scan3A_4 = arith.constant 16 : i32
    %scan3A_5 = arith.addi %scan3A_3, %scan3A_4 : i32
    %scan3A_6 = arith.constant 1 : i32
    %scan3A_7 = scf.for %scan3A_9 = %scan3A_3 to %scan3A_5 step %scan3A_6 iter_args(%scan3A_10 = %scan3A) -> (i32)  : i32 {
      %mul3A_11 = arith.constant 32 : i32
      %mul3A_12 = arith.muli %scan3A_9, %mul3A_11 : i32
      %add3A_13 = arith.addi %mul3A_2, %mul3A_12 : i32
      %multiple_of3A = tpu.assume_multiple %add3A_13, 8 : i32
      "tpu.region"() ({
        %run_scoped3A = tpu.sem_alloc : memref<!tpu.dma_semaphore, #tpu.memory_space<semaphore_mem>>
        %dma_start3A_141 = arith.constant 0 : i32
        %dma_start3A_142 = tpu.memref_slice %arg2[%multiple_of3A, %dma_start3A_141] : memref<16384x128xi32, #tpu.memory_space<hbm>> -> memref<32x128xi32, #tpu.memory_space<hbm>>
        %dma_start3A_143 = arith.constant 0 : i32
        %dma_start3A_144 = tpu.memref_slice %arg2[%multiple_of3A, %dma_start3A_143] : memref<16384x128xi32, #tpu.memory_space<hbm>> -> memref<32x128xi32, #tpu.memory_space<hbm>>
        tpu.enqueue_dma source(%dma_start3A_144 : memref<32x128xi32, #tpu.memory_space<hbm>>) target(%arg6 : memref<32x128xi32, #tpu.memory_space<vmem>>) target_semaphore(%run_scoped3A : memref<!tpu.dma_semaphore, #tpu.memory_space<semaphore_mem>>)
        %dma_wait3A_145 = arith.constant 0 : i32
        %dma_wait3A_146 = tpu.memref_slice %arg2[%multiple_of3A, %dma_wait3A_145] : memref<16384x128xi32, #tpu.memory_space<hbm>> -> memref<32x128xi32, #tpu.memory_space<hbm>>
        %dma_wait3A_147 = arith.constant 0 : i32
        %dma_wait3A_148 = tpu.memref_slice %arg2[%multiple_of3A, %dma_wait3A_147] : memref<16384x128xi32, #tpu.memory_space<hbm>> -> memref<32x128xi32, #tpu.memory_space<hbm>>
        tpu.wait_dma2 semaphore(%run_scoped3A : memref<!tpu.dma_semaphore, #tpu.memory_space<semaphore_mem>>) src(%dma_wait3A_148 : memref<32x128xi32, #tpu.memory_space<hbm>>) dst(%arg6 : memref<32x128xi32, #tpu.memory_space<vmem>>)
        tpu.yield
      }) : () -> ()
      "tpu.region"() ({
        %run_scoped3A = tpu.sem_alloc : memref<!tpu.dma_semaphore, #tpu.memory_space<semaphore_mem>>
        %dma_start3A_141 = arith.constant 0 : i32
        %dma_start3A_142 = tpu.memref_slice %arg3[%multiple_of3A, %dma_start3A_141] : memref<16384x128xi32, #tpu.memory_space<hbm>> -> memref<32x128xi32, #tpu.memory_space<hbm>>
        %dma_start3A_143 = arith.constant 0 : i32
        %dma_start3A_144 = tpu.memref_slice %arg3[%multiple_of3A, %dma_start3A_143] : memref<16384x128xi32, #tpu.memory_space<hbm>> -> memref<32x128xi32, #tpu.memory_space<hbm>>
        tpu.enqueue_dma source(%dma_start3A_144 : memref<32x128xi32, #tpu.memory_space<hbm>>) target(%arg7 : memref<32x128xi32, #tpu.memory_space<vmem>>) target_semaphore(%run_scoped3A : memref<!tpu.dma_semaphore, #tpu.memory_space<semaphore_mem>>)
        %dma_wait3A_145 = arith.constant 0 : i32
        %dma_wait3A_146 = tpu.memref_slice %arg3[%multiple_of3A, %dma_wait3A_145] : memref<16384x128xi32, #tpu.memory_space<hbm>> -> memref<32x128xi32, #tpu.memory_space<hbm>>
        %dma_wait3A_147 = arith.constant 0 : i32
        %dma_wait3A_148 = tpu.memref_slice %arg3[%multiple_of3A, %dma_wait3A_147] : memref<16384x128xi32, #tpu.memory_space<hbm>> -> memref<32x128xi32, #tpu.memory_space<hbm>>
        tpu.wait_dma2 semaphore(%run_scoped3A : memref<!tpu.dma_semaphore, #tpu.memory_space<semaphore_mem>>) src(%dma_wait3A_148 : memref<32x128xi32, #tpu.memory_space<hbm>>) dst(%arg7 : memref<32x128xi32, #tpu.memory_space<vmem>>)
        tpu.yield
      }) : () -> ()
      %dma_start3A = arith.constant 0 : i32
      %dma_start3A_14 = arith.constant 0 : i32
      %dma_start3A_15 = arith.constant 0 : i32
      %dma_start3A_16 = tpu.memref_slice %arg8[%dma_start3A_14, %dma_start3A_15] : memref<200x32xf32, #tpu.memory_space<vmem>> -> memref<128x32xf32, #tpu.memory_space<vmem>>
      %dma_start3A_17 = arith.constant 0 : i32
      %dma_start3A_18 = tpu.memref_slice %arg6[%dma_start3A, %dma_start3A_17] : memref<32x128xi32, #tpu.memory_space<vmem>> -> memref<1x128xi32, #tpu.memory_space<vmem>>
      %dma_start3A_19 = tpu.memref_squeeze %dma_start3A_18 : memref<1x128xi32, #tpu.memory_space<vmem>> -> memref<128xi32, #tpu.memory_space<vmem>>
      %dma_start3A_20 = arith.constant 0 : i32
      %dma_start3A_21 = arith.constant 0 : i32
      %dma_start3A_22 = tpu.memref_slice %arg4[%dma_start3A_20, %dma_start3A_21] : memref<1000000x32xf32, #tpu.memory_space<hbm>> -> memref<1000000x32xf32, #tpu.memory_space<hbm>>
      tpu.enqueue_indirect_dma source(%dma_start3A_22 : memref<1000000x32xf32, #tpu.memory_space<hbm>>) target(%dma_start3A_16 : memref<128x32xf32, #tpu.memory_space<vmem>>) offsets(%dma_start3A_19 : memref<128xi32, #tpu.memory_space<vmem>>) semaphore(%arg11 : memref<!tpu.dma_semaphore, #tpu.memory_space<semaphore_mem>>)
      %dma_start3A_23 = arith.constant 0 : i32
      %dma_start3A_24 = arith.constant 128 : i32
      %dma_start3A_25 = arith.constant 0 : i32
      %dma_start3A_26 = tpu.memref_slice %arg8[%dma_start3A_24, %dma_start3A_25] : memref<200x32xf32, #tpu.memory_space<vmem>> -> memref<72x32xf32, #tpu.memory_space<vmem>>
      %dma_start3A_27 = arith.constant 0 : i32
      %dma_start3A_28 = tpu.memref_slice %arg7[%dma_start3A_23, %dma_start3A_27] : memref<32x128xi32, #tpu.memory_space<vmem>> -> memref<1x72xi32, #tpu.memory_space<vmem>>
      %dma_start3A_29 = tpu.memref_squeeze %dma_start3A_28 : memref<1x72xi32, #tpu.memory_space<vmem>> -> memref<72xi32, #tpu.memory_space<vmem>>
      %dma_start3A_30 = arith.constant 0 : i32
      %dma_start3A_31 = arith.constant 0 : i32
      %dma_start3A_32 = tpu.memref_slice %arg4[%dma_start3A_30, %dma_start3A_31] : memref<1000000x32xf32, #tpu.memory_space<hbm>> -> memref<1000000x32xf32, #tpu.memory_space<hbm>>
      tpu.enqueue_indirect_dma source(%dma_start3A_32 : memref<1000000x32xf32, #tpu.memory_space<hbm>>) target(%dma_start3A_26 : memref<72x32xf32, #tpu.memory_space<vmem>>) offsets(%dma_start3A_29 : memref<72xi32, #tpu.memory_space<vmem>>) semaphore(%arg11 : memref<!tpu.dma_semaphore, #tpu.memory_space<semaphore_mem>>)
      %dma_start3A_33 = arith.constant 1 : i32
      %dma_start3A_34 = arith.constant 0 : i32
      %dma_start3A_35 = arith.constant 0 : i32
      %dma_start3A_36 = tpu.memref_slice %arg9[%dma_start3A_34, %dma_start3A_35] : memref<200x32xf32, #tpu.memory_space<vmem>> -> memref<128x32xf32, #tpu.memory_space<vmem>>
      %dma_start3A_37 = arith.constant 0 : i32
      %dma_start3A_38 = tpu.memref_slice %arg6[%dma_start3A_33, %dma_start3A_37] : memref<32x128xi32, #tpu.memory_space<vmem>> -> memref<1x128xi32, #tpu.memory_space<vmem>>
      %dma_start3A_39 = tpu.memref_squeeze %dma_start3A_38 : memref<1x128xi32, #tpu.memory_space<vmem>> -> memref<128xi32, #tpu.memory_space<vmem>>
      %dma_start3A_40 = arith.constant 0 : i32
      %dma_start3A_41 = arith.constant 0 : i32
      %dma_start3A_42 = tpu.memref_slice %arg4[%dma_start3A_40, %dma_start3A_41] : memref<1000000x32xf32, #tpu.memory_space<hbm>> -> memref<1000000x32xf32, #tpu.memory_space<hbm>>
      tpu.enqueue_indirect_dma source(%dma_start3A_42 : memref<1000000x32xf32, #tpu.memory_space<hbm>>) target(%dma_start3A_36 : memref<128x32xf32, #tpu.memory_space<vmem>>) offsets(%dma_start3A_39 : memref<128xi32, #tpu.memory_space<vmem>>) semaphore(%arg12 : memref<!tpu.dma_semaphore, #tpu.memory_space<semaphore_mem>>)
      %dma_start3A_43 = arith.constant 1 : i32
      %dma_start3A_44 = arith.constant 128 : i32
      %dma_start3A_45 = arith.constant 0 : i32
      %dma_start3A_46 = tpu.memref_slice %arg9[%dma_start3A_44, %dma_start3A_45] : memref<200x32xf32, #tpu.memory_space<vmem>> -> memref<72x32xf32, #tpu.memory_space<vmem>>
      %dma_start3A_47 = arith.constant 0 : i32
      %dma_start3A_48 = tpu.memref_slice %arg7[%dma_start3A_43, %dma_start3A_47] : memref<32x128xi32, #tpu.memory_space<vmem>> -> memref<1x72xi32, #tpu.memory_space<vmem>>
      %dma_start3A_49 = tpu.memref_squeeze %dma_start3A_48 : memref<1x72xi32, #tpu.memory_space<vmem>> -> memref<72xi32, #tpu.memory_space<vmem>>
      %dma_start3A_50 = arith.constant 0 : i32
      %dma_start3A_51 = arith.constant 0 : i32
      %dma_start3A_52 = tpu.memref_slice %arg4[%dma_start3A_50, %dma_start3A_51] : memref<1000000x32xf32, #tpu.memory_space<hbm>> -> memref<1000000x32xf32, #tpu.memory_space<hbm>>
      tpu.enqueue_indirect_dma source(%dma_start3A_52 : memref<1000000x32xf32, #tpu.memory_space<hbm>>) target(%dma_start3A_46 : memref<72x32xf32, #tpu.memory_space<vmem>>) offsets(%dma_start3A_49 : memref<72xi32, #tpu.memory_space<vmem>>) semaphore(%arg12 : memref<!tpu.dma_semaphore, #tpu.memory_space<semaphore_mem>>)
      %scan3A_53 = arith.constant 0 : i32
      %scan3A_54 = arith.constant 0 : i32
      %scan3A_55 = arith.constant 15 : i32
      %scan3A_56 = arith.addi %scan3A_54, %scan3A_55 : i32
      %scan3A_57 = arith.constant 1 : i32
      %scan3A_58 = scf.for %scan3A_141 = %scan3A_54 to %scan3A_56 step %scan3A_57 iter_args(%scan3A_142 = %scan3A_53) -> (i32)  : i32 {
        %mul3A_143 = arith.constant 2 : i32
        %mul3A_144 = arith.muli %scan3A_141, %mul3A_143 : i32
        %add3A_145 = arith.constant 0 : i32
        %add3A_146 = arith.addi %mul3A_144, %add3A_145 : i32
        %dma_wait3A_147 = arith.constant 0 : i32
        %dma_wait3A_148 = arith.constant 0 : i32
        %dma_wait3A_149 = tpu.memref_slice %arg8[%dma_wait3A_147, %dma_wait3A_148] : memref<200x32xf32, #tpu.memory_space<vmem>> -> memref<128x32xf32, #tpu.memory_space<vmem>>
        %dma_wait3A_150 = arith.constant 0 : i32
        %dma_wait3A_151 = tpu.memref_slice %arg6[%add3A_146, %dma_wait3A_150] : memref<32x128xi32, #tpu.memory_space<vmem>> -> memref<1x128xi32, #tpu.memory_space<vmem>>
        %dma_wait3A_152 = tpu.memref_squeeze %dma_wait3A_151 : memref<1x128xi32, #tpu.memory_space<vmem>> -> memref<128xi32, #tpu.memory_space<vmem>>
        %dma_wait3A_153 = arith.constant 0 : i32
        %dma_wait3A_154 = arith.constant 0 : i32
        %dma_wait3A_155 = tpu.memref_slice %arg4[%dma_wait3A_153, %dma_wait3A_154] : memref<1000000x32xf32, #tpu.memory_space<hbm>> -> memref<1000000x32xf32, #tpu.memory_space<hbm>>
        tpu.wait_indirect_dma semaphore(%arg11 : memref<!tpu.dma_semaphore, #tpu.memory_space<semaphore_mem>>) src(%dma_wait3A_155 : memref<1000000x32xf32, #tpu.memory_space<hbm>>) dst(%dma_wait3A_149 : memref<128x32xf32, #tpu.memory_space<vmem>>)
        %dma_wait3A_156 = arith.constant 128 : i32
        %dma_wait3A_157 = arith.constant 0 : i32
        %dma_wait3A_158 = tpu.memref_slice %arg8[%dma_wait3A_156, %dma_wait3A_157] : memref<200x32xf32, #tpu.memory_space<vmem>> -> memref<72x32xf32, #tpu.memory_space<vmem>>
        %dma_wait3A_159 = arith.constant 0 : i32
        %dma_wait3A_160 = tpu.memref_slice %arg7[%add3A_146, %dma_wait3A_159] : memref<32x128xi32, #tpu.memory_space<vmem>> -> memref<1x72xi32, #tpu.memory_space<vmem>>
        %dma_wait3A_161 = tpu.memref_squeeze %dma_wait3A_160 : memref<1x72xi32, #tpu.memory_space<vmem>> -> memref<72xi32, #tpu.memory_space<vmem>>
        %dma_wait3A_162 = arith.constant 0 : i32
        %dma_wait3A_163 = arith.constant 0 : i32
        %dma_wait3A_164 = tpu.memref_slice %arg4[%dma_wait3A_162, %dma_wait3A_163] : memref<1000000x32xf32, #tpu.memory_space<hbm>> -> memref<1000000x32xf32, #tpu.memory_space<hbm>>
        tpu.wait_indirect_dma semaphore(%arg11 : memref<!tpu.dma_semaphore, #tpu.memory_space<semaphore_mem>>) src(%dma_wait3A_164 : memref<1000000x32xf32, #tpu.memory_space<hbm>>) dst(%dma_wait3A_158 : memref<72x32xf32, #tpu.memory_space<vmem>>)
        %broadcast_in_dim3A_165 = arith.constant 0.000000e+00 : f32
        %broadcast_in_dim3A_166 = vector.broadcast %broadcast_in_dim3A_165 : f32 to vector<16xf32>
        %scan3A_167 = arith.constant 0 : i32
        %scan3A_168 = arith.constant 200 : i32
        %scan3A_169 = arith.addi %scan3A_167, %scan3A_168 : i32
        %scan3A_170 = arith.constant 8 : i32
        %scan3A_171:2 = scf.for %scan3A_264 = %scan3A_167 to %scan3A_169 step %scan3A_170 iter_args(%scan3A_265 = %broadcast_in_dim3A_166, %scan3A_266 = %broadcast_in_dim3A_166) -> (vector<16xf32>, vector<16xf32>)  : i32 {
          %get3A = arith.index_cast %scan3A_264 : i32 to index
          %get3A_267 = arith.constant 0 : index
          %get3A_268 = tpu.vector_load %arg8[%get3A, %get3A_267] {strides = array<i32>} : memref<200x32xf32, #tpu.memory_space<vmem>>, vector<1x16xf32>,
          %get3A_269 = vector.shape_cast %get3A_268 : vector<1x16xf32> to vector<16xf32>
          %add3A_270 = arith.addf %scan3A_265, %get3A_269 : vector<16xf32>
          %get3A_271 = arith.index_cast %scan3A_264 : i32 to index
          %get3A_272 = arith.constant 16 : index
          %get3A_273 = tpu.vector_load %arg8[%get3A_271, %get3A_272] {strides = array<i32>} : memref<200x32xf32, #tpu.memory_space<vmem>>, vector<1x16xf32>,
          %get3A_274 = vector.shape_cast %get3A_273 : vector<1x16xf32> to vector<16xf32>
          %add3A_275 = arith.addf %scan3A_266, %get3A_274 : vector<16xf32>
          %scan3A_276 = arith.constant 1 : i32
          %scan3A_277 = arith.addi %scan3A_264, %scan3A_276 : i32
          %get3A_278 = arith.index_cast %scan3A_277 : i32 to index
          %get3A_279 = arith.constant 0 : index
          %get3A_280 = tpu.vector_load %arg8[%get3A_278, %get3A_279] {strides = array<i32>} : memref<200x32xf32, #tpu.memory_space<vmem>>, vector<1x16xf32>,
          %get3A_281 = vector.shape_cast %get3A_280 : vector<1x16xf32> to vector<16xf32>
          %add3A_282 = arith.addf %add3A_270, %get3A_281 : vector<16xf32>
          %get3A_283 = arith.index_cast %scan3A_277 : i32 to index
          %get3A_284 = arith.constant 16 : index
          %get3A_285 = tpu.vector_load %arg8[%get3A_283, %get3A_284] {strides = array<i32>} : memref<200x32xf32, #tpu.memory_space<vmem>>, vector<1x16xf32>,
          %get3A_286 = vector.shape_cast %get3A_285 : vector<1x16xf32> to vector<16xf32>
          %add3A_287 = arith.addf %add3A_275, %get3A_286 : vector<16xf32>
          %scan3A_288 = arith.constant 2 : i32
          %scan3A_289 = arith.addi %scan3A_264, %scan3A_288 : i32
          %get3A_290 = arith.index_cast %scan3A_289 : i32 to index
          %get3A_291 = arith.constant 0 : index
          %get3A_292 = tpu.vector_load %arg8[%get3A_290, %get3A_291] {strides = array<i32>} : memref<200x32xf32, #tpu.memory_space<vmem>>, vector<1x16xf32>,
          %get3A_293 = vector.shape_cast %get3A_292 : vector<1x16xf32> to vector<16xf32>
          %add3A_294 = arith.addf %add3A_282, %get3A_293 : vector<16xf32>
          %get3A_295 = arith.index_cast %scan3A_289 : i32 to index
          %get3A_296 = arith.constant 16 : index
          %get3A_297 = tpu.vector_load %arg8[%get3A_295, %get3A_296] {strides = array<i32>} : memref<200x32xf32, #tpu.memory_space<vmem>>, vector<1x16xf32>,
          %get3A_298 = vector.shape_cast %get3A_297 : vector<1x16xf32> to vector<16xf32>
          %add3A_299 = arith.addf %add3A_287, %get3A_298 : vector<16xf32>
          %scan3A_300 = arith.constant 3 : i32
          %scan3A_301 = arith.addi %scan3A_264, %scan3A_300 : i32
          %get3A_302 = arith.index_cast %scan3A_301 : i32 to index
          %get3A_303 = arith.constant 0 : index
          %get3A_304 = tpu.vector_load %arg8[%get3A_302, %get3A_303] {strides = array<i32>} : memref<200x32xf32, #tpu.memory_space<vmem>>, vector<1x16xf32>,
          %get3A_305 = vector.shape_cast %get3A_304 : vector<1x16xf32> to vector<16xf32>
          %add3A_306 = arith.addf %add3A_294, %get3A_305 : vector<16xf32>
          %get3A_307 = arith.index_cast %scan3A_301 : i32 to index
          %get3A_308 = arith.constant 16 : index
          %get3A_309 = tpu.vector_load %arg8[%get3A_307, %get3A_308] {strides = array<i32>} : memref<200x32xf32, #tpu.memory_space<vmem>>, vector<1x16xf32>,
          %get3A_310 = vector.shape_cast %get3A_309 : vector<1x16xf32> to vector<16xf32>
          %add3A_311 = arith.addf %add3A_299, %get3A_310 : vector<16xf32>
          %scan3A_312 = arith.constant 4 : i32
          %scan3A_313 = arith.addi %scan3A_264, %scan3A_312 : i32
          %get3A_314 = arith.index_cast %scan3A_313 : i32 to index
          %get3A_315 = arith.constant 0 : index
          %get3A_316 = tpu.vector_load %arg8[%get3A_314, %get3A_315] {strides = array<i32>} : memref<200x32xf32, #tpu.memory_space<vmem>>, vector<1x16xf32>,
          %get3A_317 = vector.shape_cast %get3A_316 : vector<1x16xf32> to vector<16xf32>
          %add3A_318 = arith.addf %add3A_306, %get3A_317 : vector<16xf32>
          %get3A_319 = arith.index_cast %scan3A_313 : i32 to index
          %get3A_320 = arith.constant 16 : index
          %get3A_321 = tpu.vector_load %arg8[%get3A_319, %get3A_320] {strides = array<i32>} : memref<200x32xf32, #tpu.memory_space<vmem>>, vector<1x16xf32>,
          %get3A_322 = vector.shape_cast %get3A_321 : vector<1x16xf32> to vector<16xf32>
          %add3A_323 = arith.addf %add3A_311, %get3A_322 : vector<16xf32>
          %scan3A_324 = arith.constant 5 : i32
          %scan3A_325 = arith.addi %scan3A_264, %scan3A_324 : i32
          %get3A_326 = arith.index_cast %scan3A_325 : i32 to index
          %get3A_327 = arith.constant 0 : index
          %get3A_328 = tpu.vector_load %arg8[%get3A_326, %get3A_327] {strides = array<i32>} : memref<200x32xf32, #tpu.memory_space<vmem>>, vector<1x16xf32>,
          %get3A_329 = vector.shape_cast %get3A_328 : vector<1x16xf32> to vector<16xf32>
          %add3A_330 = arith.addf %add3A_318, %get3A_329 : vector<16xf32>
          %get3A_331 = arith.index_cast %scan3A_325 : i32 to index
          %get3A_332 = arith.constant 16 : index
          %get3A_333 = tpu.vector_load %arg8[%get3A_331, %get3A_332] {strides = array<i32>} : memref<200x32xf32, #tpu.memory_space<vmem>>, vector<1x16xf32>,
          %get3A_334 = vector.shape_cast %get3A_333 : vector<1x16xf32> to vector<16xf32>
          %add3A_335 = arith.addf %add3A_323, %get3A_334 : vector<16xf32>
          %scan3A_336 = arith.constant 6 : i32
          %scan3A_337 = arith.addi %scan3A_264, %scan3A_336 : i32
          %get3A_338 = arith.index_cast %scan3A_337 : i32 to index
          %get3A_339 = arith.constant 0 : index
          %get3A_340 = tpu.vector_load %arg8[%get3A_338, %get3A_339] {strides = array<i32>} : memref<200x32xf32, #tpu.memory_space<vmem>>, vector<1x16xf32>,
          %get3A_341 = vector.shape_cast %get3A_340 : vector<1x16xf32> to vector<16xf32>
          %add3A_342 = arith.addf %add3A_330, %get3A_341 : vector<16xf32>
          %get3A_343 = arith.index_cast %scan3A_337 : i32 to index
          %get3A_344 = arith.constant 16 : index
          %get3A_345 = tpu.vector_load %arg8[%get3A_343, %get3A_344] {strides = array<i32>} : memref<200x32xf32, #tpu.memory_space<vmem>>, vector<1x16xf32>,
          %get3A_346 = vector.shape_cast %get3A_345 : vector<1x16xf32> to vector<16xf32>
          %add3A_347 = arith.addf %add3A_335, %get3A_346 : vector<16xf32>
          %scan3A_348 = arith.constant 7 : i32
          %scan3A_349 = arith.addi %scan3A_264, %scan3A_348 : i32
          %get3A_350 = arith.index_cast %scan3A_349 : i32 to index
          %get3A_351 = arith.constant 0 : index
          %get3A_352 = tpu.vector_load %arg8[%get3A_350, %get3A_351] {strides = array<i32>} : memref<200x32xf32, #tpu.memory_space<vmem>>, vector<1x16xf32>,
          %get3A_353 = vector.shape_cast %get3A_352 : vector<1x16xf32> to vector<16xf32>
          %add3A_354 = arith.addf %add3A_342, %get3A_353 : vector<16xf32>
          %get3A_355 = arith.index_cast %scan3A_349 : i32 to index
          %get3A_356 = arith.constant 16 : index
          %get3A_357 = tpu.vector_load %arg8[%get3A_355, %get3A_356] {strides = array<i32>} : memref<200x32xf32, #tpu.memory_space<vmem>>, vector<1x16xf32>,
          %get3A_358 = vector.shape_cast %get3A_357 : vector<1x16xf32> to vector<16xf32>
          %add3A_359 = arith.addf %add3A_347, %get3A_358 : vector<16xf32>
          scf.yield %add3A_354, %add3A_359 : vector<16xf32>, vector<16xf32>
        }
        %scan3A_172 = arith.constant 200 : i32
        %swap3A_173 = arith.index_cast %add3A_146 : i32 to index
        %swap3A_174 = arith.constant 0 : index
        %swap3A_175 = tpu.vector_load %arg10[%swap3A_173, %swap3A_174] {strides = array<i32>} : memref<32x32xf32, #tpu.memory_space<vmem>>, vector<1x16xf32>,
        %swap3A_176 = vector.shape_cast %swap3A_175 : vector<1x16xf32> to vector<16xf32>
        %swap3A_177 = vector.shape_cast %scan3A_171#0 : vector<16xf32> to vector<1x16xf32>
        tpu.vector_store %arg10[%swap3A_173, %swap3A_174], %swap3A_177 {strides = array<i32>} : memref<32x32xf32, #tpu.memory_space<vmem>>, vector<1x16xf32>,
        %swap3A_178 = arith.index_cast %add3A_146 : i32 to index
        %swap3A_179 = arith.constant 16 : index
        %swap3A_180 = tpu.vector_load %arg10[%swap3A_178, %swap3A_179] {strides = array<i32>} : memref<32x32xf32, #tpu.memory_space<vmem>>, vector<1x16xf32>,
        %swap3A_181 = vector.shape_cast %swap3A_180 : vector<1x16xf32> to vector<16xf32>
        %swap3A_182 = vector.shape_cast %scan3A_171#1 : vector<16xf32> to vector<1x16xf32>
        tpu.vector_store %arg10[%swap3A_178, %swap3A_179], %swap3A_182 {strides = array<i32>} : memref<32x32xf32, #tpu.memory_space<vmem>>, vector<1x16xf32>,
        %add3A_183 = arith.constant 2 : i32
        %add3A_184 = arith.addi %add3A_146, %add3A_183 : i32
        %dma_start3A_185 = arith.constant 0 : i32
        %dma_start3A_186 = arith.constant 0 : i32
        %dma_start3A_187 = tpu.memref_slice %arg8[%dma_start3A_185, %dma_start3A_186] : memref<200x32xf32, #tpu.memory_space<vmem>> -> memref<128x32xf32, #tpu.memory_space<vmem>>
        %dma_start3A_188 = arith.constant 0 : i32
        %dma_start3A_189 = tpu.memref_slice %arg6[%add3A_184, %dma_start3A_188] : memref<32x128xi32, #tpu.memory_space<vmem>> -> memref<1x128xi32, #tpu.memory_space<vmem>>
        %dma_start3A_190 = tpu.memref_squeeze %dma_start3A_189 : memref<1x128xi32, #tpu.memory_space<vmem>> -> memref<128xi32, #tpu.memory_space<vmem>>
        %dma_start3A_191 = arith.constant 0 : i32
        %dma_start3A_192 = arith.constant 0 : i32
        %dma_start3A_193 = tpu.memref_slice %arg4[%dma_start3A_191, %dma_start3A_192] : memref<1000000x32xf32, #tpu.memory_space<hbm>> -> memref<1000000x32xf32, #tpu.memory_space<hbm>>
        tpu.enqueue_indirect_dma source(%dma_start3A_193 : memref<1000000x32xf32, #tpu.memory_space<hbm>>) target(%dma_start3A_187 : memref<128x32xf32, #tpu.memory_space<vmem>>) offsets(%dma_start3A_190 : memref<128xi32, #tpu.memory_space<vmem>>) semaphore(%arg11 : memref<!tpu.dma_semaphore, #tpu.memory_space<semaphore_mem>>)
        %dma_start3A_194 = arith.constant 128 : i32
        %dma_start3A_195 = arith.constant 0 : i32
        %dma_start3A_196 = tpu.memref_slice %arg8[%dma_start3A_194, %dma_start3A_195] : memref<200x32xf32, #tpu.memory_space<vmem>> -> memref<72x32xf32, #tpu.memory_space<vmem>>
        %dma_start3A_197 = arith.constant 0 : i32
        %dma_start3A_198 = tpu.memref_slice %arg7[%add3A_184, %dma_start3A_197] : memref<32x128xi32, #tpu.memory_space<vmem>> -> memref<1x72xi32, #tpu.memory_space<vmem>>
        %dma_start3A_199 = tpu.memref_squeeze %dma_start3A_198 : memref<1x72xi32, #tpu.memory_space<vmem>> -> memref<72xi32, #tpu.memory_space<vmem>>
        %dma_start3A_200 = arith.constant 0 : i32
        %dma_start3A_201 = arith.constant 0 : i32
        %dma_start3A_202 = tpu.memref_slice %arg4[%dma_start3A_200, %dma_start3A_201] : memref<1000000x32xf32, #tpu.memory_space<hbm>> -> memref<1000000x32xf32, #tpu.memory_space<hbm>>
        tpu.enqueue_indirect_dma source(%dma_start3A_202 : memref<1000000x32xf32, #tpu.memory_space<hbm>>) target(%dma_start3A_196 : memref<72x32xf32, #tpu.memory_space<vmem>>) offsets(%dma_start3A_199 : memref<72xi32, #tpu.memory_space<vmem>>) semaphore(%arg11 : memref<!tpu.dma_semaphore, #tpu.memory_space<semaphore_mem>>)
        %mul3A_203 = arith.constant 2 : i32
        %mul3A_204 = arith.muli %scan3A_141, %mul3A_203 : i32
        %add3A_205 = arith.constant 1 : i32
        %add3A_206 = arith.addi %mul3A_204, %add3A_205 : i32
        %dma_wait3A_207 = arith.constant 0 : i32
        %dma_wait3A_208 = arith.constant 0 : i32
        %dma_wait3A_209 = tpu.memref_slice %arg9[%dma_wait3A_207, %dma_wait3A_208] : memref<200x32xf32, #tpu.memory_space<vmem>> -> memref<128x32xf32, #tpu.memory_space<vmem>>
        %dma_wait3A_210 = arith.constant 0 : i32
        %dma_wait3A_211 = tpu.memref_slice %arg6[%add3A_206, %dma_wait3A_210] : memref<32x128xi32, #tpu.memory_space<vmem>> -> memref<1x128xi32, #tpu.memory_space<vmem>>
        %dma_wait3A_212 = tpu.memref_squeeze %dma_wait3A_211 : memref<1x128xi32, #tpu.memory_space<vmem>> -> memref<128xi32, #tpu.memory_space<vmem>>
        %dma_wait3A_213 = arith.constant 0 : i32
        %dma_wait3A_214 = arith.constant 0 : i32
        %dma_wait3A_215 = tpu.memref_slice %arg4[%dma_wait3A_213, %dma_wait3A_214] : memref<1000000x32xf32, #tpu.memory_space<hbm>> -> memref<1000000x32xf32, #tpu.memory_space<hbm>>
        tpu.wait_indirect_dma semaphore(%arg12 : memref<!tpu.dma_semaphore, #tpu.memory_space<semaphore_mem>>) src(%dma_wait3A_215 : memref<1000000x32xf32, #tpu.memory_space<hbm>>) dst(%dma_wait3A_209 : memref<128x32xf32, #tpu.memory_space<vmem>>)
        %dma_wait3A_216 = arith.constant 128 : i32
        %dma_wait3A_217 = arith.constant 0 : i32
        %dma_wait3A_218 = tpu.memref_slice %arg9[%dma_wait3A_216, %dma_wait3A_217] : memref<200x32xf32, #tpu.memory_space<vmem>> -> memref<72x32xf32, #tpu.memory_space<vmem>>
        %dma_wait3A_219 = arith.constant 0 : i32
        %dma_wait3A_220 = tpu.memref_slice %arg7[%add3A_206, %dma_wait3A_219] : memref<32x128xi32, #tpu.memory_space<vmem>> -> memref<1x72xi32, #tpu.memory_space<vmem>>
        %dma_wait3A_221 = tpu.memref_squeeze %dma_wait3A_220 : memref<1x72xi32, #tpu.memory_space<vmem>> -> memref<72xi32, #tpu.memory_space<vmem>>
        %dma_wait3A_222 = arith.constant 0 : i32
        %dma_wait3A_223 = arith.constant 0 : i32
        %dma_wait3A_224 = tpu.memref_slice %arg4[%dma_wait3A_222, %dma_wait3A_223] : memref<1000000x32xf32, #tpu.memory_space<hbm>> -> memref<1000000x32xf32, #tpu.memory_space<hbm>>
        tpu.wait_indirect_dma semaphore(%arg12 : memref<!tpu.dma_semaphore, #tpu.memory_space<semaphore_mem>>) src(%dma_wait3A_224 : memref<1000000x32xf32, #tpu.memory_space<hbm>>) dst(%dma_wait3A_218 : memref<72x32xf32, #tpu.memory_space<vmem>>)
        %broadcast_in_dim3A_225 = arith.constant 0.000000e+00 : f32
        %broadcast_in_dim3A_226 = vector.broadcast %broadcast_in_dim3A_225 : f32 to vector<16xf32>
        %scan3A_227 = arith.constant 0 : i32
        %scan3A_228 = arith.constant 200 : i32
        %scan3A_229 = arith.addi %scan3A_227, %scan3A_228 : i32
        %scan3A_230 = arith.constant 8 : i32
        %scan3A_231:2 = scf.for %scan3A_264 = %scan3A_227 to %scan3A_229 step %scan3A_230 iter_args(%scan3A_265 = %broadcast_in_dim3A_226, %scan3A_266 = %broadcast_in_dim3A_226) -> (vector<16xf32>, vector<16xf32>)  : i32 {
          %get3A = arith.index_cast %scan3A_264 : i32 to index
          %get3A_267 = arith.constant 0 : index
          %get3A_268 = tpu.vector_load %arg9[%get3A, %get3A_267] {strides = array<i32>} : memref<200x32xf32, #tpu.memory_space<vmem>>, vector<1x16xf32>,
          %get3A_269 = vector.shape_cast %get3A_268 : vector<1x16xf32> to vector<16xf32>
          %add3A_270 = arith.addf %scan3A_265, %get3A_269 : vector<16xf32>
          %get3A_271 = arith.index_cast %scan3A_264 : i32 to index
          %get3A_272 = arith.constant 16 : index
          %get3A_273 = tpu.vector_load %arg9[%get3A_271, %get3A_272] {strides = array<i32>} : memref<200x32xf32, #tpu.memory_space<vmem>>, vector<1x16xf32>,
          %get3A_274 = vector.shape_cast %get3A_273 : vector<1x16xf32> to vector<16xf32>
          %add3A_275 = arith.addf %scan3A_266, %get3A_274 : vector<16xf32>
          %scan3A_276 = arith.constant 1 : i32
          %scan3A_277 = arith.addi %scan3A_264, %scan3A_276 : i32
          %get3A_278 = arith.index_cast %scan3A_277 : i32 to index
          %get3A_279 = arith.constant 0 : index
          %get3A_280 = tpu.vector_load %arg9[%get3A_278, %get3A_279] {strides = array<i32>} : memref<200x32xf32, #tpu.memory_space<vmem>>, vector<1x16xf32>,
          %get3A_281 = vector.shape_cast %get3A_280 : vector<1x16xf32> to vector<16xf32>
          %add3A_282 = arith.addf %add3A_270, %get3A_281 : vector<16xf32>
          %get3A_283 = arith.index_cast %scan3A_277 : i32 to index
          %get3A_284 = arith.constant 16 : index
          %get3A_285 = tpu.vector_load %arg9[%get3A_283, %get3A_284] {strides = array<i32>} : memref<200x32xf32, #tpu.memory_space<vmem>>, vector<1x16xf32>,
          %get3A_286 = vector.shape_cast %get3A_285 : vector<1x16xf32> to vector<16xf32>
          %add3A_287 = arith.addf %add3A_275, %get3A_286 : vector<16xf32>
          %scan3A_288 = arith.constant 2 : i32
          %scan3A_289 = arith.addi %scan3A_264, %scan3A_288 : i32
          %get3A_290 = arith.index_cast %scan3A_289 : i32 to index
          %get3A_291 = arith.constant 0 : index
          %get3A_292 = tpu.vector_load %arg9[%get3A_290, %get3A_291] {strides = array<i32>} : memref<200x32xf32, #tpu.memory_space<vmem>>, vector<1x16xf32>,
          %get3A_293 = vector.shape_cast %get3A_292 : vector<1x16xf32> to vector<16xf32>
          %add3A_294 = arith.addf %add3A_282, %get3A_293 : vector<16xf32>
          %get3A_295 = arith.index_cast %scan3A_289 : i32 to index
          %get3A_296 = arith.constant 16 : index
          %get3A_297 = tpu.vector_load %arg9[%get3A_295, %get3A_296] {strides = array<i32>} : memref<200x32xf32, #tpu.memory_space<vmem>>, vector<1x16xf32>,
          %get3A_298 = vector.shape_cast %get3A_297 : vector<1x16xf32> to vector<16xf32>
          %add3A_299 = arith.addf %add3A_287, %get3A_298 : vector<16xf32>
          %scan3A_300 = arith.constant 3 : i32
          %scan3A_301 = arith.addi %scan3A_264, %scan3A_300 : i32
          %get3A_302 = arith.index_cast %scan3A_301 : i32 to index
          %get3A_303 = arith.constant 0 : index
          %get3A_304 = tpu.vector_load %arg9[%get3A_302, %get3A_303] {strides = array<i32>} : memref<200x32xf32, #tpu.memory_space<vmem>>, vector<1x16xf32>,
          %get3A_305 = vector.shape_cast %get3A_304 : vector<1x16xf32> to vector<16xf32>
          %add3A_306 = arith.addf %add3A_294, %get3A_305 : vector<16xf32>
          %get3A_307 = arith.index_cast %scan3A_301 : i32 to index
          %get3A_308 = arith.constant 16 : index
          %get3A_309 = tpu.vector_load %arg9[%get3A_307, %get3A_308] {strides = array<i32>} : memref<200x32xf32, #tpu.memory_space<vmem>>, vector<1x16xf32>,
          %get3A_310 = vector.shape_cast %get3A_309 : vector<1x16xf32> to vector<16xf32>
          %add3A_311 = arith.addf %add3A_299, %get3A_310 : vector<16xf32>
          %scan3A_312 = arith.constant 4 : i32
          %scan3A_313 = arith.addi %scan3A_264, %scan3A_312 : i32
          %get3A_314 = arith.index_cast %scan3A_313 : i32 to index
          %get3A_315 = arith.constant 0 : index
          %get3A_316 = tpu.vector_load %arg9[%get3A_314, %get3A_315] {strides = array<i32>} : memref<200x32xf32, #tpu.memory_space<vmem>>, vector<1x16xf32>,
          %get3A_317 = vector.shape_cast %get3A_316 : vector<1x16xf32> to vector<16xf32>
          %add3A_318 = arith.addf %add3A_306, %get3A_317 : vector<16xf32>
          %get3A_319 = arith.index_cast %scan3A_313 : i32 to index
          %get3A_320 = arith.constant 16 : index
          %get3A_321 = tpu.vector_load %arg9[%get3A_319, %get3A_320] {strides = array<i32>} : memref<200x32xf32, #tpu.memory_space<vmem>>, vector<1x16xf32>,
          %get3A_322 = vector.shape_cast %get3A_321 : vector<1x16xf32> to vector<16xf32>
          %add3A_323 = arith.addf %add3A_311, %get3A_322 : vector<16xf32>
          %scan3A_324 = arith.constant 5 : i32
          %scan3A_325 = arith.addi %scan3A_264, %scan3A_324 : i32
          %get3A_326 = arith.index_cast %scan3A_325 : i32 to index
          %get3A_327 = arith.constant 0 : index
          %get3A_328 = tpu.vector_load %arg9[%get3A_326, %get3A_327] {strides = array<i32>} : memref<200x32xf32, #tpu.memory_space<vmem>>, vector<1x16xf32>,
          %get3A_329 = vector.shape_cast %get3A_328 : vector<1x16xf32> to vector<16xf32>
          %add3A_330 = arith.addf %add3A_318, %get3A_329 : vector<16xf32>
          %get3A_331 = arith.index_cast %scan3A_325 : i32 to index
          %get3A_332 = arith.constant 16 : index
          %get3A_333 = tpu.vector_load %arg9[%get3A_331, %get3A_332] {strides = array<i32>} : memref<200x32xf32, #tpu.memory_space<vmem>>, vector<1x16xf32>,
          %get3A_334 = vector.shape_cast %get3A_333 : vector<1x16xf32> to vector<16xf32>
          %add3A_335 = arith.addf %add3A_323, %get3A_334 : vector<16xf32>
          %scan3A_336 = arith.constant 6 : i32
          %scan3A_337 = arith.addi %scan3A_264, %scan3A_336 : i32
          %get3A_338 = arith.index_cast %scan3A_337 : i32 to index
          %get3A_339 = arith.constant 0 : index
          %get3A_340 = tpu.vector_load %arg9[%get3A_338, %get3A_339] {strides = array<i32>} : memref<200x32xf32, #tpu.memory_space<vmem>>, vector<1x16xf32>,
          %get3A_341 = vector.shape_cast %get3A_340 : vector<1x16xf32> to vector<16xf32>
          %add3A_342 = arith.addf %add3A_330, %get3A_341 : vector<16xf32>
          %get3A_343 = arith.index_cast %scan3A_337 : i32 to index
          %get3A_344 = arith.constant 16 : index
          %get3A_345 = tpu.vector_load %arg9[%get3A_343, %get3A_344] {strides = array<i32>} : memref<200x32xf32, #tpu.memory_space<vmem>>, vector<1x16xf32>,
          %get3A_346 = vector.shape_cast %get3A_345 : vector<1x16xf32> to vector<16xf32>
          %add3A_347 = arith.addf %add3A_335, %get3A_346 : vector<16xf32>
          %scan3A_348 = arith.constant 7 : i32
          %scan3A_349 = arith.addi %scan3A_264, %scan3A_348 : i32
          %get3A_350 = arith.index_cast %scan3A_349 : i32 to index
          %get3A_351 = arith.constant 0 : index
          %get3A_352 = tpu.vector_load %arg9[%get3A_350, %get3A_351] {strides = array<i32>} : memref<200x32xf32, #tpu.memory_space<vmem>>, vector<1x16xf32>,
          %get3A_353 = vector.shape_cast %get3A_352 : vector<1x16xf32> to vector<16xf32>
          %add3A_354 = arith.addf %add3A_342, %get3A_353 : vector<16xf32>
          %get3A_355 = arith.index_cast %scan3A_349 : i32 to index
          %get3A_356 = arith.constant 16 : index
          %get3A_357 = tpu.vector_load %arg9[%get3A_355, %get3A_356] {strides = array<i32>} : memref<200x32xf32, #tpu.memory_space<vmem>>, vector<1x16xf32>,
          %get3A_358 = vector.shape_cast %get3A_357 : vector<1x16xf32> to vector<16xf32>
          %add3A_359 = arith.addf %add3A_347, %get3A_358 : vector<16xf32>
          scf.yield %add3A_354, %add3A_359 : vector<16xf32>, vector<16xf32>
        }
        %scan3A_232 = arith.constant 200 : i32
        %swap3A_233 = arith.index_cast %add3A_206 : i32 to index
        %swap3A_234 = arith.constant 0 : index
        %swap3A_235 = tpu.vector_load %arg10[%swap3A_233, %swap3A_234] {strides = array<i32>} : memref<32x32xf32, #tpu.memory_space<vmem>>, vector<1x16xf32>,
        %swap3A_236 = vector.shape_cast %swap3A_235 : vector<1x16xf32> to vector<16xf32>
        %swap3A_237 = vector.shape_cast %scan3A_231#0 : vector<16xf32> to vector<1x16xf32>
        tpu.vector_store %arg10[%swap3A_233, %swap3A_234], %swap3A_237 {strides = array<i32>} : memref<32x32xf32, #tpu.memory_space<vmem>>, vector<1x16xf32>,
        %swap3A_238 = arith.index_cast %add3A_206 : i32 to index
        %swap3A_239 = arith.constant 16 : index
        %swap3A_240 = tpu.vector_load %arg10[%swap3A_238, %swap3A_239] {strides = array<i32>} : memref<32x32xf32, #tpu.memory_space<vmem>>, vector<1x16xf32>,
        %swap3A_241 = vector.shape_cast %swap3A_240 : vector<1x16xf32> to vector<16xf32>
        %swap3A_242 = vector.shape_cast %scan3A_231#1 : vector<16xf32> to vector<1x16xf32>
        tpu.vector_store %arg10[%swap3A_238, %swap3A_239], %swap3A_242 {strides = array<i32>} : memref<32x32xf32, #tpu.memory_space<vmem>>, vector<1x16xf32>,
        %add3A_243 = arith.constant 2 : i32
        %add3A_244 = arith.addi %add3A_206, %add3A_243 : i32
        %dma_start3A_245 = arith.constant 0 : i32
        %dma_start3A_246 = arith.constant 0 : i32
        %dma_start3A_247 = tpu.memref_slice %arg9[%dma_start3A_245, %dma_start3A_246] : memref<200x32xf32, #tpu.memory_space<vmem>> -> memref<128x32xf32, #tpu.memory_space<vmem>>
        %dma_start3A_248 = arith.constant 0 : i32
        %dma_start3A_249 = tpu.memref_slice %arg6[%add3A_244, %dma_start3A_248] : memref<32x128xi32, #tpu.memory_space<vmem>> -> memref<1x128xi32, #tpu.memory_space<vmem>>
        %dma_start3A_250 = tpu.memref_squeeze %dma_start3A_249 : memref<1x128xi32, #tpu.memory_space<vmem>> -> memref<128xi32, #tpu.memory_space<vmem>>
        %dma_start3A_251 = arith.constant 0 : i32
        %dma_start3A_252 = arith.constant 0 : i32
        %dma_start3A_253 = tpu.memref_slice %arg4[%dma_start3A_251, %dma_start3A_252] : memref<1000000x32xf32, #tpu.memory_space<hbm>> -> memref<1000000x32xf32, #tpu.memory_space<hbm>>
        tpu.enqueue_indirect_dma source(%dma_start3A_253 : memref<1000000x32xf32, #tpu.memory_space<hbm>>) target(%dma_start3A_247 : memref<128x32xf32, #tpu.memory_space<vmem>>) offsets(%dma_start3A_250 : memref<128xi32, #tpu.memory_space<vmem>>) semaphore(%arg12 : memref<!tpu.dma_semaphore, #tpu.memory_space<semaphore_mem>>)
        %dma_start3A_254 = arith.constant 128 : i32
        %dma_start3A_255 = arith.constant 0 : i32
        %dma_start3A_256 = tpu.memref_slice %arg9[%dma_start3A_254, %dma_start3A_255] : memref<200x32xf32, #tpu.memory_space<vmem>> -> memref<72x32xf32, #tpu.memory_space<vmem>>
        %dma_start3A_257 = arith.constant 0 : i32
        %dma_start3A_258 = tpu.memref_slice %arg7[%add3A_244, %dma_start3A_257] : memref<32x128xi32, #tpu.memory_space<vmem>> -> memref<1x72xi32, #tpu.memory_space<vmem>>
        %dma_start3A_259 = tpu.memref_squeeze %dma_start3A_258 : memref<1x72xi32, #tpu.memory_space<vmem>> -> memref<72xi32, #tpu.memory_space<vmem>>
        %dma_start3A_260 = arith.constant 0 : i32
        %dma_start3A_261 = arith.constant 0 : i32
        %dma_start3A_262 = tpu.memref_slice %arg4[%dma_start3A_260, %dma_start3A_261] : memref<1000000x32xf32, #tpu.memory_space<hbm>> -> memref<1000000x32xf32, #tpu.memory_space<hbm>>
        tpu.enqueue_indirect_dma source(%dma_start3A_262 : memref<1000000x32xf32, #tpu.memory_space<hbm>>) target(%dma_start3A_256 : memref<72x32xf32, #tpu.memory_space<vmem>>) offsets(%dma_start3A_259 : memref<72xi32, #tpu.memory_space<vmem>>) semaphore(%arg12 : memref<!tpu.dma_semaphore, #tpu.memory_space<semaphore_mem>>)
        %scan3A_263 = arith.constant 0 : i32
        scf.yield %scan3A_263 : i32
      }
      %scan3A_59 = arith.constant 15 : i32
      %dma_wait3A = arith.constant 30 : i32
      %dma_wait3A_60 = arith.constant 0 : i32
      %dma_wait3A_61 = arith.constant 0 : i32
      %dma_wait3A_62 = tpu.memref_slice %arg8[%dma_wait3A_60, %dma_wait3A_61] : memref<200x32xf32, #tpu.memory_space<vmem>> -> memref<128x32xf32, #tpu.memory_space<vmem>>
      %dma_wait3A_63 = arith.constant 0 : i32
      %dma_wait3A_64 = tpu.memref_slice %arg6[%dma_wait3A, %dma_wait3A_63] : memref<32x128xi32, #tpu.memory_space<vmem>> -> memref<1x128xi32, #tpu.memory_space<vmem>>
      %dma_wait3A_65 = tpu.memref_squeeze %dma_wait3A_64 : memref<1x128xi32, #tpu.memory_space<vmem>> -> memref<128xi32, #tpu.memory_space<vmem>>
      %dma_wait3A_66 = arith.constant 0 : i32
      %dma_wait3A_67 = arith.constant 0 : i32
      %dma_wait3A_68 = tpu.memref_slice %arg4[%dma_wait3A_66, %dma_wait3A_67] : memref<1000000x32xf32, #tpu.memory_space<hbm>> -> memref<1000000x32xf32, #tpu.memory_space<hbm>>
      tpu.wait_indirect_dma semaphore(%arg11 : memref<!tpu.dma_semaphore, #tpu.memory_space<semaphore_mem>>) src(%dma_wait3A_68 : memref<1000000x32xf32, #tpu.memory_space<hbm>>) dst(%dma_wait3A_62 : memref<128x32xf32, #tpu.memory_space<vmem>>)
      %dma_wait3A_69 = arith.constant 30 : i32
      %dma_wait3A_70 = arith.constant 128 : i32
      %dma_wait3A_71 = arith.constant 0 : i32
      %dma_wait3A_72 = tpu.memref_slice %arg8[%dma_wait3A_70, %dma_wait3A_71] : memref<200x32xf32, #tpu.memory_space<vmem>> -> memref<72x32xf32, #tpu.memory_space<vmem>>
      %dma_wait3A_73 = arith.constant 0 : i32
      %dma_wait3A_74 = tpu.memref_slice %arg7[%dma_wait3A_69, %dma_wait3A_73] : memref<32x128xi32, #tpu.memory_space<vmem>> -> memref<1x72xi32, #tpu.memory_space<vmem>>
      %dma_wait3A_75 = tpu.memref_squeeze %dma_wait3A_74 : memref<1x72xi32, #tpu.memory_space<vmem>> -> memref<72xi32, #tpu.memory_space<vmem>>
      %dma_wait3A_76 = arith.constant 0 : i32
      %dma_wait3A_77 = arith.constant 0 : i32
      %dma_wait3A_78 = tpu.memref_slice %arg4[%dma_wait3A_76, %dma_wait3A_77] : memref<1000000x32xf32, #tpu.memory_space<hbm>> -> memref<1000000x32xf32, #tpu.memory_space<hbm>>
      tpu.wait_indirect_dma semaphore(%arg11 : memref<!tpu.dma_semaphore, #tpu.memory_space<semaphore_mem>>) src(%dma_wait3A_78 : memref<1000000x32xf32, #tpu.memory_space<hbm>>) dst(%dma_wait3A_72 : memref<72x32xf32, #tpu.memory_space<vmem>>)
      %broadcast_in_dim3A = arith.constant 0.000000e+00 : f32
      %broadcast_in_dim3A_79 = vector.broadcast %broadcast_in_dim3A : f32 to vector<16xf32>
      %scan3A_80 = arith.constant 0 : i32
      %scan3A_81 = arith.constant 200 : i32
      %scan3A_82 = arith.addi %scan3A_80, %scan3A_81 : i32
      %scan3A_83 = arith.constant 8 : i32
      %scan3A_84:2 = scf.for %scan3A_141 = %scan3A_80 to %scan3A_82 step %scan3A_83 iter_args(%scan3A_142 = %broadcast_in_dim3A_79, %scan3A_143 = %broadcast_in_dim3A_79) -> (vector<16xf32>, vector<16xf32>)  : i32 {
        %get3A = arith.index_cast %scan3A_141 : i32 to index
        %get3A_144 = arith.constant 0 : index
        %get3A_145 = tpu.vector_load %arg8[%get3A, %get3A_144] {strides = array<i32>} : memref<200x32xf32, #tpu.memory_space<vmem>>, vector<1x16xf32>,
        %get3A_146 = vector.shape_cast %get3A_145 : vector<1x16xf32> to vector<16xf32>
        %add3A_147 = arith.addf %scan3A_142, %get3A_146 : vector<16xf32>
        %get3A_148 = arith.index_cast %scan3A_141 : i32 to index
        %get3A_149 = arith.constant 16 : index
        %get3A_150 = tpu.vector_load %arg8[%get3A_148, %get3A_149] {strides = array<i32>} : memref<200x32xf32, #tpu.memory_space<vmem>>, vector<1x16xf32>,
        %get3A_151 = vector.shape_cast %get3A_150 : vector<1x16xf32> to vector<16xf32>
        %add3A_152 = arith.addf %scan3A_143, %get3A_151 : vector<16xf32>
        %scan3A_153 = arith.constant 1 : i32
        %scan3A_154 = arith.addi %scan3A_141, %scan3A_153 : i32
        %get3A_155 = arith.index_cast %scan3A_154 : i32 to index
        %get3A_156 = arith.constant 0 : index
        %get3A_157 = tpu.vector_load %arg8[%get3A_155, %get3A_156] {strides = array<i32>} : memref<200x32xf32, #tpu.memory_space<vmem>>, vector<1x16xf32>,
        %get3A_158 = vector.shape_cast %get3A_157 : vector<1x16xf32> to vector<16xf32>
        %add3A_159 = arith.addf %add3A_147, %get3A_158 : vector<16xf32>
        %get3A_160 = arith.index_cast %scan3A_154 : i32 to index
        %get3A_161 = arith.constant 16 : index
        %get3A_162 = tpu.vector_load %arg8[%get3A_160, %get3A_161] {strides = array<i32>} : memref<200x32xf32, #tpu.memory_space<vmem>>, vector<1x16xf32>,
        %get3A_163 = vector.shape_cast %get3A_162 : vector<1x16xf32> to vector<16xf32>
        %add3A_164 = arith.addf %add3A_152, %get3A_163 : vector<16xf32>
        %scan3A_165 = arith.constant 2 : i32
        %scan3A_166 = arith.addi %scan3A_141, %scan3A_165 : i32
        %get3A_167 = arith.index_cast %scan3A_166 : i32 to index
        %get3A_168 = arith.constant 0 : index
        %get3A_169 = tpu.vector_load %arg8[%get3A_167, %get3A_168] {strides = array<i32>} : memref<200x32xf32, #tpu.memory_space<vmem>>, vector<1x16xf32>,
        %get3A_170 = vector.shape_cast %get3A_169 : vector<1x16xf32> to vector<16xf32>
        %add3A_171 = arith.addf %add3A_159, %get3A_170 : vector<16xf32>
        %get3A_172 = arith.index_cast %scan3A_166 : i32 to index
        %get3A_173 = arith.constant 16 : index
        %get3A_174 = tpu.vector_load %arg8[%get3A_172, %get3A_173] {strides = array<i32>} : memref<200x32xf32, #tpu.memory_space<vmem>>, vector<1x16xf32>,
        %get3A_175 = vector.shape_cast %get3A_174 : vector<1x16xf32> to vector<16xf32>
        %add3A_176 = arith.addf %add3A_164, %get3A_175 : vector<16xf32>
        %scan3A_177 = arith.constant 3 : i32
        %scan3A_178 = arith.addi %scan3A_141, %scan3A_177 : i32
        %get3A_179 = arith.index_cast %scan3A_178 : i32 to index
        %get3A_180 = arith.constant 0 : index
        %get3A_181 = tpu.vector_load %arg8[%get3A_179, %get3A_180] {strides = array<i32>} : memref<200x32xf32, #tpu.memory_space<vmem>>, vector<1x16xf32>,
        %get3A_182 = vector.shape_cast %get3A_181 : vector<1x16xf32> to vector<16xf32>
        %add3A_183 = arith.addf %add3A_171, %get3A_182 : vector<16xf32>
        %get3A_184 = arith.index_cast %scan3A_178 : i32 to index
        %get3A_185 = arith.constant 16 : index
        %get3A_186 = tpu.vector_load %arg8[%get3A_184, %get3A_185] {strides = array<i32>} : memref<200x32xf32, #tpu.memory_space<vmem>>, vector<1x16xf32>,
        %get3A_187 = vector.shape_cast %get3A_186 : vector<1x16xf32> to vector<16xf32>
        %add3A_188 = arith.addf %add3A_176, %get3A_187 : vector<16xf32>
        %scan3A_189 = arith.constant 4 : i32
        %scan3A_190 = arith.addi %scan3A_141, %scan3A_189 : i32
        %get3A_191 = arith.index_cast %scan3A_190 : i32 to index
        %get3A_192 = arith.constant 0 : index
        %get3A_193 = tpu.vector_load %arg8[%get3A_191, %get3A_192] {strides = array<i32>} : memref<200x32xf32, #tpu.memory_space<vmem>>, vector<1x16xf32>,
        %get3A_194 = vector.shape_cast %get3A_193 : vector<1x16xf32> to vector<16xf32>
        %add3A_195 = arith.addf %add3A_183, %get3A_194 : vector<16xf32>
        %get3A_196 = arith.index_cast %scan3A_190 : i32 to index
        %get3A_197 = arith.constant 16 : index
        %get3A_198 = tpu.vector_load %arg8[%get3A_196, %get3A_197] {strides = array<i32>} : memref<200x32xf32, #tpu.memory_space<vmem>>, vector<1x16xf32>,
        %get3A_199 = vector.shape_cast %get3A_198 : vector<1x16xf32> to vector<16xf32>
        %add3A_200 = arith.addf %add3A_188, %get3A_199 : vector<16xf32>
        %scan3A_201 = arith.constant 5 : i32
        %scan3A_202 = arith.addi %scan3A_141, %scan3A_201 : i32
        %get3A_203 = arith.index_cast %scan3A_202 : i32 to index
        %get3A_204 = arith.constant 0 : index
        %get3A_205 = tpu.vector_load %arg8[%get3A_203, %get3A_204] {strides = array<i32>} : memref<200x32xf32, #tpu.memory_space<vmem>>, vector<1x16xf32>,
        %get3A_206 = vector.shape_cast %get3A_205 : vector<1x16xf32> to vector<16xf32>
        %add3A_207 = arith.addf %add3A_195, %get3A_206 : vector<16xf32>
        %get3A_208 = arith.index_cast %scan3A_202 : i32 to index
        %get3A_209 = arith.constant 16 : index
        %get3A_210 = tpu.vector_load %arg8[%get3A_208, %get3A_209] {strides = array<i32>} : memref<200x32xf32, #tpu.memory_space<vmem>>, vector<1x16xf32>,
        %get3A_211 = vector.shape_cast %get3A_210 : vector<1x16xf32> to vector<16xf32>
        %add3A_212 = arith.addf %add3A_200, %get3A_211 : vector<16xf32>
        %scan3A_213 = arith.constant 6 : i32
        %scan3A_214 = arith.addi %scan3A_141, %scan3A_213 : i32
        %get3A_215 = arith.index_cast %scan3A_214 : i32 to index
        %get3A_216 = arith.constant 0 : index
        %get3A_217 = tpu.vector_load %arg8[%get3A_215, %get3A_216] {strides = array<i32>} : memref<200x32xf32, #tpu.memory_space<vmem>>, vector<1x16xf32>,
        %get3A_218 = vector.shape_cast %get3A_217 : vector<1x16xf32> to vector<16xf32>
        %add3A_219 = arith.addf %add3A_207, %get3A_218 : vector<16xf32>
        %get3A_220 = arith.index_cast %scan3A_214 : i32 to index
        %get3A_221 = arith.constant 16 : index
        %get3A_222 = tpu.vector_load %arg8[%get3A_220, %get3A_221] {strides = array<i32>} : memref<200x32xf32, #tpu.memory_space<vmem>>, vector<1x16xf32>,
        %get3A_223 = vector.shape_cast %get3A_222 : vector<1x16xf32> to vector<16xf32>
        %add3A_224 = arith.addf %add3A_212, %get3A_223 : vector<16xf32>
        %scan3A_225 = arith.constant 7 : i32
        %scan3A_226 = arith.addi %scan3A_141, %scan3A_225 : i32
        %get3A_227 = arith.index_cast %scan3A_226 : i32 to index
        %get3A_228 = arith.constant 0 : index
        %get3A_229 = tpu.vector_load %arg8[%get3A_227, %get3A_228] {strides = array<i32>} : memref<200x32xf32, #tpu.memory_space<vmem>>, vector<1x16xf32>,
        %get3A_230 = vector.shape_cast %get3A_229 : vector<1x16xf32> to vector<16xf32>
        %add3A_231 = arith.addf %add3A_219, %get3A_230 : vector<16xf32>
        %get3A_232 = arith.index_cast %scan3A_226 : i32 to index
        %get3A_233 = arith.constant 16 : index
        %get3A_234 = tpu.vector_load %arg8[%get3A_232, %get3A_233] {strides = array<i32>} : memref<200x32xf32, #tpu.memory_space<vmem>>, vector<1x16xf32>,
        %get3A_235 = vector.shape_cast %get3A_234 : vector<1x16xf32> to vector<16xf32>
        %add3A_236 = arith.addf %add3A_224, %get3A_235 : vector<16xf32>
        scf.yield %add3A_231, %add3A_236 : vector<16xf32>, vector<16xf32>
      }
      %scan3A_85 = arith.constant 200 : i32
      %swap3A = arith.constant 30 : i32
      %swap3A_86 = arith.index_cast %swap3A : i32 to index
      %swap3A_87 = arith.constant 0 : index
      %swap3A_88 = tpu.vector_load %arg10[%swap3A_86, %swap3A_87] {strides = array<i32>} : memref<32x32xf32, #tpu.memory_space<vmem>>, vector<1x16xf32>,
      %swap3A_89 = vector.shape_cast %swap3A_88 : vector<1x16xf32> to vector<16xf32>
      %swap3A_90 = vector.shape_cast %scan3A_84#0 : vector<16xf32> to vector<1x16xf32>
      tpu.vector_store %arg10[%swap3A_86, %swap3A_87], %swap3A_90 {strides = array<i32>} : memref<32x32xf32, #tpu.memory_space<vmem>>, vector<1x16xf32>,
      %swap3A_91 = arith.constant 30 : i32
      %swap3A_92 = arith.index_cast %swap3A_91 : i32 to index
      %swap3A_93 = arith.constant 16 : index
      %swap3A_94 = tpu.vector_load %arg10[%swap3A_92, %swap3A_93] {strides = array<i32>} : memref<32x32xf32, #tpu.memory_space<vmem>>, vector<1x16xf32>,
      %swap3A_95 = vector.shape_cast %swap3A_94 : vector<1x16xf32> to vector<16xf32>
      %swap3A_96 = vector.shape_cast %scan3A_84#1 : vector<16xf32> to vector<1x16xf32>
      tpu.vector_store %arg10[%swap3A_92, %swap3A_93], %swap3A_96 {strides = array<i32>} : memref<32x32xf32, #tpu.memory_space<vmem>>, vector<1x16xf32>,
      %dma_wait3A_97 = arith.constant 31 : i32
      %dma_wait3A_98 = arith.constant 0 : i32
      %dma_wait3A_99 = arith.constant 0 : i32
      %dma_wait3A_100 = tpu.memref_slice %arg9[%dma_wait3A_98, %dma_wait3A_99] : memref<200x32xf32, #tpu.memory_space<vmem>> -> memref<128x32xf32, #tpu.memory_space<vmem>>
      %dma_wait3A_101 = arith.constant 0 : i32
      %dma_wait3A_102 = tpu.memref_slice %arg6[%dma_wait3A_97, %dma_wait3A_101] : memref<32x128xi32, #tpu.memory_space<vmem>> -> memref<1x128xi32, #tpu.memory_space<vmem>>
      %dma_wait3A_103 = tpu.memref_squeeze %dma_wait3A_102 : memref<1x128xi32, #tpu.memory_space<vmem>> -> memref<128xi32, #tpu.memory_space<vmem>>
      %dma_wait3A_104 = arith.constant 0 : i32
      %dma_wait3A_105 = arith.constant 0 : i32
      %dma_wait3A_106 = tpu.memref_slice %arg4[%dma_wait3A_104, %dma_wait3A_105] : memref<1000000x32xf32, #tpu.memory_space<hbm>> -> memref<1000000x32xf32, #tpu.memory_space<hbm>>
      tpu.wait_indirect_dma semaphore(%arg12 : memref<!tpu.dma_semaphore, #tpu.memory_space<semaphore_mem>>) src(%dma_wait3A_106 : memref<1000000x32xf32, #tpu.memory_space<hbm>>) dst(%dma_wait3A_100 : memref<128x32xf32, #tpu.memory_space<vmem>>)
      %dma_wait3A_107 = arith.constant 31 : i32
      %dma_wait3A_108 = arith.constant 128 : i32
      %dma_wait3A_109 = arith.constant 0 : i32
      %dma_wait3A_110 = tpu.memref_slice %arg9[%dma_wait3A_108, %dma_wait3A_109] : memref<200x32xf32, #tpu.memory_space<vmem>> -> memref<72x32xf32, #tpu.memory_space<vmem>>
      %dma_wait3A_111 = arith.constant 0 : i32
      %dma_wait3A_112 = tpu.memref_slice %arg7[%dma_wait3A_107, %dma_wait3A_111] : memref<32x128xi32, #tpu.memory_space<vmem>> -> memref<1x72xi32, #tpu.memory_space<vmem>>
      %dma_wait3A_113 = tpu.memref_squeeze %dma_wait3A_112 : memref<1x72xi32, #tpu.memory_space<vmem>> -> memref<72xi32, #tpu.memory_space<vmem>>
      %dma_wait3A_114 = arith.constant 0 : i32
      %dma_wait3A_115 = arith.constant 0 : i32
      %dma_wait3A_116 = tpu.memref_slice %arg4[%dma_wait3A_114, %dma_wait3A_115] : memref<1000000x32xf32, #tpu.memory_space<hbm>> -> memref<1000000x32xf32, #tpu.memory_space<hbm>>
      tpu.wait_indirect_dma semaphore(%arg12 : memref<!tpu.dma_semaphore, #tpu.memory_space<semaphore_mem>>) src(%dma_wait3A_116 : memref<1000000x32xf32, #tpu.memory_space<hbm>>) dst(%dma_wait3A_110 : memref<72x32xf32, #tpu.memory_space<vmem>>)
      %broadcast_in_dim3A_117 = arith.constant 0.000000e+00 : f32
      %broadcast_in_dim3A_118 = vector.broadcast %broadcast_in_dim3A_117 : f32 to vector<16xf32>
      %scan3A_119 = arith.constant 0 : i32
      %scan3A_120 = arith.constant 200 : i32
      %scan3A_121 = arith.addi %scan3A_119, %scan3A_120 : i32
      %scan3A_122 = arith.constant 8 : i32
      %scan3A_123:2 = scf.for %scan3A_141 = %scan3A_119 to %scan3A_121 step %scan3A_122 iter_args(%scan3A_142 = %broadcast_in_dim3A_118, %scan3A_143 = %broadcast_in_dim3A_118) -> (vector<16xf32>, vector<16xf32>)  : i32 {
        %get3A = arith.index_cast %scan3A_141 : i32 to index
        %get3A_144 = arith.constant 0 : index
        %get3A_145 = tpu.vector_load %arg9[%get3A, %get3A_144] {strides = array<i32>} : memref<200x32xf32, #tpu.memory_space<vmem>>, vector<1x16xf32>,
        %get3A_146 = vector.shape_cast %get3A_145 : vector<1x16xf32> to vector<16xf32>
        %add3A_147 = arith.addf %scan3A_142, %get3A_146 : vector<16xf32>
        %get3A_148 = arith.index_cast %scan3A_141 : i32 to index
        %get3A_149 = arith.constant 16 : index
        %get3A_150 = tpu.vector_load %arg9[%get3A_148, %get3A_149] {strides = array<i32>} : memref<200x32xf32, #tpu.memory_space<vmem>>, vector<1x16xf32>,
        %get3A_151 = vector.shape_cast %get3A_150 : vector<1x16xf32> to vector<16xf32>
        %add3A_152 = arith.addf %scan3A_143, %get3A_151 : vector<16xf32>
        %scan3A_153 = arith.constant 1 : i32
        %scan3A_154 = arith.addi %scan3A_141, %scan3A_153 : i32
        %get3A_155 = arith.index_cast %scan3A_154 : i32 to index
        %get3A_156 = arith.constant 0 : index
        %get3A_157 = tpu.vector_load %arg9[%get3A_155, %get3A_156] {strides = array<i32>} : memref<200x32xf32, #tpu.memory_space<vmem>>, vector<1x16xf32>,
        %get3A_158 = vector.shape_cast %get3A_157 : vector<1x16xf32> to vector<16xf32>
        %add3A_159 = arith.addf %add3A_147, %get3A_158 : vector<16xf32>
        %get3A_160 = arith.index_cast %scan3A_154 : i32 to index
        %get3A_161 = arith.constant 16 : index
        %get3A_162 = tpu.vector_load %arg9[%get3A_160, %get3A_161] {strides = array<i32>} : memref<200x32xf32, #tpu.memory_space<vmem>>, vector<1x16xf32>,
        %get3A_163 = vector.shape_cast %get3A_162 : vector<1x16xf32> to vector<16xf32>
        %add3A_164 = arith.addf %add3A_152, %get3A_163 : vector<16xf32>
        %scan3A_165 = arith.constant 2 : i32
        %scan3A_166 = arith.addi %scan3A_141, %scan3A_165 : i32
        %get3A_167 = arith.index_cast %scan3A_166 : i32 to index
        %get3A_168 = arith.constant 0 : index
        %get3A_169 = tpu.vector_load %arg9[%get3A_167, %get3A_168] {strides = array<i32>} : memref<200x32xf32, #tpu.memory_space<vmem>>, vector<1x16xf32>,
        %get3A_170 = vector.shape_cast %get3A_169 : vector<1x16xf32> to vector<16xf32>
        %add3A_171 = arith.addf %add3A_159, %get3A_170 : vector<16xf32>
        %get3A_172 = arith.index_cast %scan3A_166 : i32 to index
        %get3A_173 = arith.constant 16 : index
        %get3A_174 = tpu.vector_load %arg9[%get3A_172, %get3A_173] {strides = array<i32>} : memref<200x32xf32, #tpu.memory_space<vmem>>, vector<1x16xf32>,
        %get3A_175 = vector.shape_cast %get3A_174 : vector<1x16xf32> to vector<16xf32>
        %add3A_176 = arith.addf %add3A_164, %get3A_175 : vector<16xf32>
        %scan3A_177 = arith.constant 3 : i32
        %scan3A_178 = arith.addi %scan3A_141, %scan3A_177 : i32
        %get3A_179 = arith.index_cast %scan3A_178 : i32 to index
        %get3A_180 = arith.constant 0 : index
        %get3A_181 = tpu.vector_load %arg9[%get3A_179, %get3A_180] {strides = array<i32>} : memref<200x32xf32, #tpu.memory_space<vmem>>, vector<1x16xf32>,
        %get3A_182 = vector.shape_cast %get3A_181 : vector<1x16xf32> to vector<16xf32>
        %add3A_183 = arith.addf %add3A_171, %get3A_182 : vector<16xf32>
        %get3A_184 = arith.index_cast %scan3A_178 : i32 to index
        %get3A_185 = arith.constant 16 : index
        %get3A_186 = tpu.vector_load %arg9[%get3A_184, %get3A_185] {strides = array<i32>} : memref<200x32xf32, #tpu.memory_space<vmem>>, vector<1x16xf32>,
        %get3A_187 = vector.shape_cast %get3A_186 : vector<1x16xf32> to vector<16xf32>
        %add3A_188 = arith.addf %add3A_176, %get3A_187 : vector<16xf32>
        %scan3A_189 = arith.constant 4 : i32
        %scan3A_190 = arith.addi %scan3A_141, %scan3A_189 : i32
        %get3A_191 = arith.index_cast %scan3A_190 : i32 to index
        %get3A_192 = arith.constant 0 : index
        %get3A_193 = tpu.vector_load %arg9[%get3A_191, %get3A_192] {strides = array<i32>} : memref<200x32xf32, #tpu.memory_space<vmem>>, vector<1x16xf32>,
        %get3A_194 = vector.shape_cast %get3A_193 : vector<1x16xf32> to vector<16xf32>
        %add3A_195 = arith.addf %add3A_183, %get3A_194 : vector<16xf32>
        %get3A_196 = arith.index_cast %scan3A_190 : i32 to index
        %get3A_197 = arith.constant 16 : index
        %get3A_198 = tpu.vector_load %arg9[%get3A_196, %get3A_197] {strides = array<i32>} : memref<200x32xf32, #tpu.memory_space<vmem>>, vector<1x16xf32>,
        %get3A_199 = vector.shape_cast %get3A_198 : vector<1x16xf32> to vector<16xf32>
        %add3A_200 = arith.addf %add3A_188, %get3A_199 : vector<16xf32>
        %scan3A_201 = arith.constant 5 : i32
        %scan3A_202 = arith.addi %scan3A_141, %scan3A_201 : i32
        %get3A_203 = arith.index_cast %scan3A_202 : i32 to index
        %get3A_204 = arith.constant 0 : index
        %get3A_205 = tpu.vector_load %arg9[%get3A_203, %get3A_204] {strides = array<i32>} : memref<200x32xf32, #tpu.memory_space<vmem>>, vector<1x16xf32>,
        %get3A_206 = vector.shape_cast %get3A_205 : vector<1x16xf32> to vector<16xf32>
        %add3A_207 = arith.addf %add3A_195, %get3A_206 : vector<16xf32>
        %get3A_208 = arith.index_cast %scan3A_202 : i32 to index
        %get3A_209 = arith.constant 16 : index
        %get3A_210 = tpu.vector_load %arg9[%get3A_208, %get3A_209] {strides = array<i32>} : memref<200x32xf32, #tpu.memory_space<vmem>>, vector<1x16xf32>,
        %get3A_211 = vector.shape_cast %get3A_210 : vector<1x16xf32> to vector<16xf32>
        %add3A_212 = arith.addf %add3A_200, %get3A_211 : vector<16xf32>
        %scan3A_213 = arith.constant 6 : i32
        %scan3A_214 = arith.addi %scan3A_141, %scan3A_213 : i32
        %get3A_215 = arith.index_cast %scan3A_214 : i32 to index
        %get3A_216 = arith.constant 0 : index
        %get3A_217 = tpu.vector_load %arg9[%get3A_215, %get3A_216] {strides = array<i32>} : memref<200x32xf32, #tpu.memory_space<vmem>>, vector<1x16xf32>,
        %get3A_218 = vector.shape_cast %get3A_217 : vector<1x16xf32> to vector<16xf32>
        %add3A_219 = arith.addf %add3A_207, %get3A_218 : vector<16xf32>
        %get3A_220 = arith.index_cast %scan3A_214 : i32 to index
        %get3A_221 = arith.constant 16 : index
        %get3A_222 = tpu.vector_load %arg9[%get3A_220, %get3A_221] {strides = array<i32>} : memref<200x32xf32, #tpu.memory_space<vmem>>, vector<1x16xf32>,
        %get3A_223 = vector.shape_cast %get3A_222 : vector<1x16xf32> to vector<16xf32>
        %add3A_224 = arith.addf %add3A_212, %get3A_223 : vector<16xf32>
        %scan3A_225 = arith.constant 7 : i32
        %scan3A_226 = arith.addi %scan3A_141, %scan3A_225 : i32
        %get3A_227 = arith.index_cast %scan3A_226 : i32 to index
        %get3A_228 = arith.constant 0 : index
        %get3A_229 = tpu.vector_load %arg9[%get3A_227, %get3A_228] {strides = array<i32>} : memref<200x32xf32, #tpu.memory_space<vmem>>, vector<1x16xf32>,
        %get3A_230 = vector.shape_cast %get3A_229 : vector<1x16xf32> to vector<16xf32>
        %add3A_231 = arith.addf %add3A_219, %get3A_230 : vector<16xf32>
        %get3A_232 = arith.index_cast %scan3A_226 : i32 to index
        %get3A_233 = arith.constant 16 : index
        %get3A_234 = tpu.vector_load %arg9[%get3A_232, %get3A_233] {strides = array<i32>} : memref<200x32xf32, #tpu.memory_space<vmem>>, vector<1x16xf32>,
        %get3A_235 = vector.shape_cast %get3A_234 : vector<1x16xf32> to vector<16xf32>
        %add3A_236 = arith.addf %add3A_224, %get3A_235 : vector<16xf32>
        scf.yield %add3A_231, %add3A_236 : vector<16xf32>, vector<16xf32>
      }
      %scan3A_124 = arith.constant 200 : i32
      %swap3A_125 = arith.constant 31 : i32
      %swap3A_126 = arith.index_cast %swap3A_125 : i32 to index
      %swap3A_127 = arith.constant 0 : index
      %swap3A_128 = tpu.vector_load %arg10[%swap3A_126, %swap3A_127] {strides = array<i32>} : memref<32x32xf32, #tpu.memory_space<vmem>>, vector<1x16xf32>,
      %swap3A_129 = vector.shape_cast %swap3A_128 : vector<1x16xf32> to vector<16xf32>
      %swap3A_130 = vector.shape_cast %scan3A_123#0 : vector<16xf32> to vector<1x16xf32>
      tpu.vector_store %arg10[%swap3A_126, %swap3A_127], %swap3A_130 {strides = array<i32>} : memref<32x32xf32, #tpu.memory_space<vmem>>, vector<1x16xf32>,
      %swap3A_131 = arith.constant 31 : i32
      %swap3A_132 = arith.index_cast %swap3A_131 : i32 to index
      %swap3A_133 = arith.constant 16 : index
      %swap3A_134 = tpu.vector_load %arg10[%swap3A_132, %swap3A_133] {strides = array<i32>} : memref<32x32xf32, #tpu.memory_space<vmem>>, vector<1x16xf32>,
      %swap3A_135 = vector.shape_cast %swap3A_134 : vector<1x16xf32> to vector<16xf32>
      %swap3A_136 = vector.shape_cast %scan3A_123#1 : vector<16xf32> to vector<1x16xf32>
      tpu.vector_store %arg10[%swap3A_132, %swap3A_133], %swap3A_136 {strides = array<i32>} : memref<32x32xf32, #tpu.memory_space<vmem>>, vector<1x16xf32>,
      %mul3A_137 = arith.constant 32 : i32
      %mul3A_138 = arith.muli %scan3A_9, %mul3A_137 : i32
      %add3A_139 = arith.addi %mul3A_2, %mul3A_138 : i32
      "tpu.region"() ({
        %run_scoped3A = tpu.sem_alloc : memref<!tpu.dma_semaphore, #tpu.memory_space<semaphore_mem>>
        %dma_start3A_141 = arith.constant 0 : i32
        %dma_start3A_142 = tpu.memref_slice %arg5[%add3A_139, %dma_start3A_141] : memref<16384x32xf32, #tpu.memory_space<hbm>> -> memref<32x32xf32, #tpu.memory_space<hbm>>
        %dma_start3A_143 = arith.constant 0 : i32
        %dma_start3A_144 = tpu.memref_slice %arg5[%add3A_139, %dma_start3A_143] : memref<16384x32xf32, #tpu.memory_space<hbm>> -> memref<32x32xf32, #tpu.memory_space<hbm>>
        tpu.enqueue_dma source(%arg10 : memref<32x32xf32, #tpu.memory_space<vmem>>) target(%dma_start3A_144 : memref<32x32xf32, #tpu.memory_space<hbm>>) target_semaphore(%run_scoped3A : memref<!tpu.dma_semaphore, #tpu.memory_space<semaphore_mem>>)
        %dma_wait3A_145 = arith.constant 0 : i32
        %dma_wait3A_146 = tpu.memref_slice %arg5[%add3A_139, %dma_wait3A_145] : memref<16384x32xf32, #tpu.memory_space<hbm>> -> memref<32x32xf32, #tpu.memory_space<hbm>>
        %dma_wait3A_147 = arith.constant 0 : i32
        %dma_wait3A_148 = tpu.memref_slice %arg5[%add3A_139, %dma_wait3A_147] : memref<16384x32xf32, #tpu.memory_space<hbm>> -> memref<32x32xf32, #tpu.memory_space<hbm>>
        tpu.wait_dma2 semaphore(%run_scoped3A : memref<!tpu.dma_semaphore, #tpu.memory_space<semaphore_mem>>) src(%arg10 : memref<32x32xf32, #tpu.memory_space<vmem>>) dst(%dma_wait3A_148 : memref<32x32xf32, #tpu.memory_space<hbm>>)
        tpu.yield
      }) : () -> ()
      %scan3A_140 = arith.constant 0 : i32
      scf.yield %scan3A_140 : i32
    }
    %scan3A_8 = arith.constant 16 : i32
    return
  }
}

#map = affine_map<(d0, d1) -> (0, 0)>
module attributes {stable_mosaic.version = 14 : i64} {
  func.func @pool(%arg0: i32, %arg1: i32, %arg2: memref<16384x128xi32, #tpu.memory_space<hbm>>, %arg3: memref<16384x128xi32, #tpu.memory_space<hbm>>, %arg4: memref<1000000x32xf32, #tpu.memory_space<hbm>>, %arg5: memref<16384x32xf32, #tpu.memory_space<hbm>>, %arg6: memref<32x128xi32, #tpu.memory_space<vmem>>, %arg7: memref<32x128xi32, #tpu.memory_space<vmem>>, %arg8: memref<200x32xf32, #tpu.memory_space<vmem>>, %arg9: memref<200x32xf32, #tpu.memory_space<vmem>>, %arg10: memref<32x32xf32, #tpu.memory_space<vmem>>, %arg11: memref<!tpu.dma_semaphore, #tpu.memory_space<semaphore_mem>>, %arg12: memref<!tpu.dma_semaphore, #tpu.memory_space<semaphore_mem>>) attributes {dimension_semantics = [#tpu.dimension_semantics<core_parallel>, #tpu.dimension_semantics<subcore_parallel>], iteration_bounds = array<i64: 2, 16>, scalar_prefetch = 0 : i64, scratch_operands = 7 : i64, tpu.core_type = #tpu.core_type<sc_vector_subcore>, window_params = [{transform_indices = #map}, {transform_indices = #map}, {transform_indices = #map}, {transform_indices = #map}]} {
    %mul3A = arith.constant 2 : i32
    %mul3A_0 = arith.muli %arg1, %mul3A : i32
    %add3A = arith.addi %mul3A_0, %arg0 : i32
    %mul3A_1 = arith.constant 512 : i32
    %mul3A_2 = arith.muli %add3A, %mul3A_1 : i32
    %scan3A = arith.constant 0 : i32
    %scan3A_3 = arith.constant 0 : i32
    %scan3A_4 = arith.constant 16 : i32
    %scan3A_5 = arith.addi %scan3A_3, %scan3A_4 : i32
    %scan3A_6 = arith.constant 1 : i32
    %scan3A_7 = scf.for %scan3A_9 = %scan3A_3 to %scan3A_5 step %scan3A_6 iter_args(%scan3A_10 = %scan3A) -> (i32)  : i32 {
      %mul3A_11 = arith.constant 32 : i32
      %mul3A_12 = arith.muli %scan3A_9, %mul3A_11 : i32
      %add3A_13 = arith.addi %mul3A_2, %mul3A_12 : i32
      %multiple_of3A = tpu.assume_multiple %add3A_13, 8 : i32
      "tpu.region"() ({
        %run_scoped3A = tpu.sem_alloc : memref<!tpu.dma_semaphore, #tpu.memory_space<semaphore_mem>>
        %dma_start3A_141 = arith.constant 0 : i32
        %dma_start3A_142 = tpu.memref_slice %arg2[%multiple_of3A, %dma_start3A_141] : memref<16384x128xi32, #tpu.memory_space<hbm>> -> memref<32x128xi32, #tpu.memory_space<hbm>>
        %dma_start3A_143 = arith.constant 0 : i32
        %dma_start3A_144 = tpu.memref_slice %arg2[%multiple_of3A, %dma_start3A_143] : memref<16384x128xi32, #tpu.memory_space<hbm>> -> memref<32x128xi32, #tpu.memory_space<hbm>>
        tpu.enqueue_dma source(%dma_start3A_144 : memref<32x128xi32, #tpu.memory_space<hbm>>) target(%arg6 : memref<32x128xi32, #tpu.memory_space<vmem>>) target_semaphore(%run_scoped3A : memref<!tpu.dma_semaphore, #tpu.memory_space<semaphore_mem>>)
        %dma_wait3A_145 = arith.constant 0 : i32
        %dma_wait3A_146 = tpu.memref_slice %arg2[%multiple_of3A, %dma_wait3A_145] : memref<16384x128xi32, #tpu.memory_space<hbm>> -> memref<32x128xi32, #tpu.memory_space<hbm>>
        %dma_wait3A_147 = arith.constant 0 : i32
        %dma_wait3A_148 = tpu.memref_slice %arg2[%multiple_of3A, %dma_wait3A_147] : memref<16384x128xi32, #tpu.memory_space<hbm>> -> memref<32x128xi32, #tpu.memory_space<hbm>>
        tpu.wait_dma2 semaphore(%run_scoped3A : memref<!tpu.dma_semaphore, #tpu.memory_space<semaphore_mem>>) src(%dma_wait3A_148 : memref<32x128xi32, #tpu.memory_space<hbm>>) dst(%arg6 : memref<32x128xi32, #tpu.memory_space<vmem>>)
        tpu.yield
      }) : () -> ()
      "tpu.region"() ({
        %run_scoped3A = tpu.sem_alloc : memref<!tpu.dma_semaphore, #tpu.memory_space<semaphore_mem>>
        %dma_start3A_141 = arith.constant 0 : i32
        %dma_start3A_142 = tpu.memref_slice %arg3[%multiple_of3A, %dma_start3A_141] : memref<16384x128xi32, #tpu.memory_space<hbm>> -> memref<32x128xi32, #tpu.memory_space<hbm>>
        %dma_start3A_143 = arith.constant 0 : i32
        %dma_start3A_144 = tpu.memref_slice %arg3[%multiple_of3A, %dma_start3A_143] : memref<16384x128xi32, #tpu.memory_space<hbm>> -> memref<32x128xi32, #tpu.memory_space<hbm>>
        tpu.enqueue_dma source(%dma_start3A_144 : memref<32x128xi32, #tpu.memory_space<hbm>>) target(%arg7 : memref<32x128xi32, #tpu.memory_space<vmem>>) target_semaphore(%run_scoped3A : memref<!tpu.dma_semaphore, #tpu.memory_space<semaphore_mem>>)
        %dma_wait3A_145 = arith.constant 0 : i32
        %dma_wait3A_146 = tpu.memref_slice %arg3[%multiple_of3A, %dma_wait3A_145] : memref<16384x128xi32, #tpu.memory_space<hbm>> -> memref<32x128xi32, #tpu.memory_space<hbm>>
        %dma_wait3A_147 = arith.constant 0 : i32
        %dma_wait3A_148 = tpu.memref_slice %arg3[%multiple_of3A, %dma_wait3A_147] : memref<16384x128xi32, #tpu.memory_space<hbm>> -> memref<32x128xi32, #tpu.memory_space<hbm>>
        tpu.wait_dma2 semaphore(%run_scoped3A : memref<!tpu.dma_semaphore, #tpu.memory_space<semaphore_mem>>) src(%dma_wait3A_148 : memref<32x128xi32, #tpu.memory_space<hbm>>) dst(%arg7 : memref<32x128xi32, #tpu.memory_space<vmem>>)
        tpu.yield
      }) : () -> ()
      %dma_start3A = arith.constant 0 : i32
      %dma_start3A_14 = arith.constant 0 : i32
      %dma_start3A_15 = arith.constant 0 : i32
      %dma_start3A_16 = tpu.memref_slice %arg8[%dma_start3A_14, %dma_start3A_15] : memref<200x32xf32, #tpu.memory_space<vmem>> -> memref<128x32xf32, #tpu.memory_space<vmem>>
      %dma_start3A_17 = arith.constant 0 : i32
      %dma_start3A_18 = tpu.memref_slice %arg6[%dma_start3A, %dma_start3A_17] : memref<32x128xi32, #tpu.memory_space<vmem>> -> memref<1x128xi32, #tpu.memory_space<vmem>>
      %dma_start3A_19 = tpu.memref_squeeze %dma_start3A_18 : memref<1x128xi32, #tpu.memory_space<vmem>> -> memref<128xi32, #tpu.memory_space<vmem>>
      %dma_start3A_20 = arith.constant 0 : i32
      %dma_start3A_21 = arith.constant 0 : i32
      %dma_start3A_22 = tpu.memref_slice %arg4[%dma_start3A_20, %dma_start3A_21] : memref<1000000x32xf32, #tpu.memory_space<hbm>> -> memref<1000000x32xf32, #tpu.memory_space<hbm>>
      tpu.enqueue_indirect_dma source(%dma_start3A_22 : memref<1000000x32xf32, #tpu.memory_space<hbm>>) target(%dma_start3A_16 : memref<128x32xf32, #tpu.memory_space<vmem>>) offsets(%dma_start3A_19 : memref<128xi32, #tpu.memory_space<vmem>>) semaphore(%arg11 : memref<!tpu.dma_semaphore, #tpu.memory_space<semaphore_mem>>)
      %dma_start3A_23 = arith.constant 0 : i32
      %dma_start3A_24 = arith.constant 128 : i32
      %dma_start3A_25 = arith.constant 0 : i32
      %dma_start3A_26 = tpu.memref_slice %arg8[%dma_start3A_24, %dma_start3A_25] : memref<200x32xf32, #tpu.memory_space<vmem>> -> memref<72x32xf32, #tpu.memory_space<vmem>>
      %dma_start3A_27 = arith.constant 0 : i32
      %dma_start3A_28 = tpu.memref_slice %arg7[%dma_start3A_23, %dma_start3A_27] : memref<32x128xi32, #tpu.memory_space<vmem>> -> memref<1x72xi32, #tpu.memory_space<vmem>>
      %dma_start3A_29 = tpu.memref_squeeze %dma_start3A_28 : memref<1x72xi32, #tpu.memory_space<vmem>> -> memref<72xi32, #tpu.memory_space<vmem>>
      %dma_start3A_30 = arith.constant 0 : i32
      %dma_start3A_31 = arith.constant 0 : i32
      %dma_start3A_32 = tpu.memref_slice %arg4[%dma_start3A_30, %dma_start3A_31] : memref<1000000x32xf32, #tpu.memory_space<hbm>> -> memref<1000000x32xf32, #tpu.memory_space<hbm>>
      tpu.enqueue_indirect_dma source(%dma_start3A_32 : memref<1000000x32xf32, #tpu.memory_space<hbm>>) target(%dma_start3A_26 : memref<72x32xf32, #tpu.memory_space<vmem>>) offsets(%dma_start3A_29 : memref<72xi32, #tpu.memory_space<vmem>>) semaphore(%arg11 : memref<!tpu.dma_semaphore, #tpu.memory_space<semaphore_mem>>)
      %dma_start3A_33 = arith.constant 1 : i32
      %dma_start3A_34 = arith.constant 0 : i32
      %dma_start3A_35 = arith.constant 0 : i32
      %dma_start3A_36 = tpu.memref_slice %arg9[%dma_start3A_34, %dma_start3A_35] : memref<200x32xf32, #tpu.memory_space<vmem>> -> memref<128x32xf32, #tpu.memory_space<vmem>>
      %dma_start3A_37 = arith.constant 0 : i32
      %dma_start3A_38 = tpu.memref_slice %arg6[%dma_start3A_33, %dma_start3A_37] : memref<32x128xi32, #tpu.memory_space<vmem>> -> memref<1x128xi32, #tpu.memory_space<vmem>>
      %dma_start3A_39 = tpu.memref_squeeze %dma_start3A_38 : memref<1x128xi32, #tpu.memory_space<vmem>> -> memref<128xi32, #tpu.memory_space<vmem>>
      %dma_start3A_40 = arith.constant 0 : i32
      %dma_start3A_41 = arith.constant 0 : i32
      %dma_start3A_42 = tpu.memref_slice %arg4[%dma_start3A_40, %dma_start3A_41] : memref<1000000x32xf32, #tpu.memory_space<hbm>> -> memref<1000000x32xf32, #tpu.memory_space<hbm>>
      tpu.enqueue_indirect_dma source(%dma_start3A_42 : memref<1000000x32xf32, #tpu.memory_space<hbm>>) target(%dma_start3A_36 : memref<128x32xf32, #tpu.memory_space<vmem>>) offsets(%dma_start3A_39 : memref<128xi32, #tpu.memory_space<vmem>>) semaphore(%arg12 : memref<!tpu.dma_semaphore, #tpu.memory_space<semaphore_mem>>)
      %dma_start3A_43 = arith.constant 1 : i32
      %dma_start3A_44 = arith.constant 128 : i32
      %dma_start3A_45 = arith.constant 0 : i32
      %dma_start3A_46 = tpu.memref_slice %arg9[%dma_start3A_44, %dma_start3A_45] : memref<200x32xf32, #tpu.memory_space<vmem>> -> memref<72x32xf32, #tpu.memory_space<vmem>>
      %dma_start3A_47 = arith.constant 0 : i32
      %dma_start3A_48 = tpu.memref_slice %arg7[%dma_start3A_43, %dma_start3A_47] : memref<32x128xi32, #tpu.memory_space<vmem>> -> memref<1x72xi32, #tpu.memory_space<vmem>>
      %dma_start3A_49 = tpu.memref_squeeze %dma_start3A_48 : memref<1x72xi32, #tpu.memory_space<vmem>> -> memref<72xi32, #tpu.memory_space<vmem>>
      %dma_start3A_50 = arith.constant 0 : i32
      %dma_start3A_51 = arith.constant 0 : i32
      %dma_start3A_52 = tpu.memref_slice %arg4[%dma_start3A_50, %dma_start3A_51] : memref<1000000x32xf32, #tpu.memory_space<hbm>> -> memref<1000000x32xf32, #tpu.memory_space<hbm>>
      tpu.enqueue_indirect_dma source(%dma_start3A_52 : memref<1000000x32xf32, #tpu.memory_space<hbm>>) target(%dma_start3A_46 : memref<72x32xf32, #tpu.memory_space<vmem>>) offsets(%dma_start3A_49 : memref<72xi32, #tpu.memory_space<vmem>>) semaphore(%arg12 : memref<!tpu.dma_semaphore, #tpu.memory_space<semaphore_mem>>)
      %scan3A_53 = arith.constant 0 : i32
      %scan3A_54 = arith.constant 0 : i32
      %scan3A_55 = arith.constant 15 : i32
      %scan3A_56 = arith.addi %scan3A_54, %scan3A_55 : i32
      %scan3A_57 = arith.constant 1 : i32
      %scan3A_58 = scf.for %scan3A_141 = %scan3A_54 to %scan3A_56 step %scan3A_57 iter_args(%scan3A_142 = %scan3A_53) -> (i32)  : i32 {
        %mul3A_143 = arith.constant 2 : i32
        %mul3A_144 = arith.muli %scan3A_141, %mul3A_143 : i32
        %add3A_145 = arith.constant 0 : i32
        %add3A_146 = arith.addi %mul3A_144, %add3A_145 : i32
        %dma_wait3A_147 = arith.constant 0 : i32
        %dma_wait3A_148 = arith.constant 0 : i32
        %dma_wait3A_149 = tpu.memref_slice %arg8[%dma_wait3A_147, %dma_wait3A_148] : memref<200x32xf32, #tpu.memory_space<vmem>> -> memref<128x32xf32, #tpu.memory_space<vmem>>
        %dma_wait3A_150 = arith.constant 0 : i32
        %dma_wait3A_151 = tpu.memref_slice %arg6[%add3A_146, %dma_wait3A_150] : memref<32x128xi32, #tpu.memory_space<vmem>> -> memref<1x128xi32, #tpu.memory_space<vmem>>
        %dma_wait3A_152 = tpu.memref_squeeze %dma_wait3A_151 : memref<1x128xi32, #tpu.memory_space<vmem>> -> memref<128xi32, #tpu.memory_space<vmem>>
        %dma_wait3A_153 = arith.constant 0 : i32
        %dma_wait3A_154 = arith.constant 0 : i32
        %dma_wait3A_155 = tpu.memref_slice %arg4[%dma_wait3A_153, %dma_wait3A_154] : memref<1000000x32xf32, #tpu.memory_space<hbm>> -> memref<1000000x32xf32, #tpu.memory_space<hbm>>
        tpu.wait_indirect_dma semaphore(%arg11 : memref<!tpu.dma_semaphore, #tpu.memory_space<semaphore_mem>>) src(%dma_wait3A_155 : memref<1000000x32xf32, #tpu.memory_space<hbm>>) dst(%dma_wait3A_149 : memref<128x32xf32, #tpu.memory_space<vmem>>)
        %dma_wait3A_156 = arith.constant 128 : i32
        %dma_wait3A_157 = arith.constant 0 : i32
        %dma_wait3A_158 = tpu.memref_slice %arg8[%dma_wait3A_156, %dma_wait3A_157] : memref<200x32xf32, #tpu.memory_space<vmem>> -> memref<72x32xf32, #tpu.memory_space<vmem>>
        %dma_wait3A_159 = arith.constant 0 : i32
        %dma_wait3A_160 = tpu.memref_slice %arg7[%add3A_146, %dma_wait3A_159] : memref<32x128xi32, #tpu.memory_space<vmem>> -> memref<1x72xi32, #tpu.memory_space<vmem>>
        %dma_wait3A_161 = tpu.memref_squeeze %dma_wait3A_160 : memref<1x72xi32, #tpu.memory_space<vmem>> -> memref<72xi32, #tpu.memory_space<vmem>>
        %dma_wait3A_162 = arith.constant 0 : i32
        %dma_wait3A_163 = arith.constant 0 : i32
        %dma_wait3A_164 = tpu.memref_slice %arg4[%dma_wait3A_162, %dma_wait3A_163] : memref<1000000x32xf32, #tpu.memory_space<hbm>> -> memref<1000000x32xf32, #tpu.memory_space<hbm>>
        tpu.wait_indirect_dma semaphore(%arg11 : memref<!tpu.dma_semaphore, #tpu.memory_space<semaphore_mem>>) src(%dma_wait3A_164 : memref<1000000x32xf32, #tpu.memory_space<hbm>>) dst(%dma_wait3A_158 : memref<72x32xf32, #tpu.memory_space<vmem>>)
        %broadcast_in_dim3A_165 = arith.constant 0.000000e+00 : f32
        %broadcast_in_dim3A_166 = vector.broadcast %broadcast_in_dim3A_165 : f32 to vector<16xf32>
        %scan3A_167 = arith.constant 0 : i32
        %scan3A_168 = arith.constant 200 : i32
        %scan3A_169 = arith.addi %scan3A_167, %scan3A_168 : i32
        %scan3A_170 = arith.constant 8 : i32
        %scan3A_171:2 = scf.for %scan3A_264 = %scan3A_167 to %scan3A_169 step %scan3A_170 iter_args(%scan3A_265 = %broadcast_in_dim3A_166, %scan3A_266 = %broadcast_in_dim3A_166) -> (vector<16xf32>, vector<16xf32>)  : i32 {
          %get3A = arith.index_cast %scan3A_264 : i32 to index
          %get3A_267 = arith.constant 0 : index
          %get3A_268 = tpu.vector_load %arg8[%get3A, %get3A_267] {strides = array<i32>} : memref<200x32xf32, #tpu.memory_space<vmem>>, vector<1x16xf32>,
          %get3A_269 = vector.shape_cast %get3A_268 : vector<1x16xf32> to vector<16xf32>
          %add3A_270 = arith.addf %scan3A_265, %get3A_269 : vector<16xf32>
          %get3A_271 = arith.index_cast %scan3A_264 : i32 to index
          %get3A_272 = arith.constant 16 : index
          %get3A_273 = tpu.vector_load %arg8[%get3A_271, %get3A_272] {strides = array<i32>} : memref<200x32xf32, #tpu.memory_space<vmem>>, vector<1x16xf32>,
          %get3A_274 = vector.shape_cast %get3A_273 : vector<1x16xf32> to vector<16xf32>
          %add3A_275 = arith.addf %scan3A_266, %get3A_274 : vector<16xf32>
          %scan3A_276 = arith.constant 1 : i32
          %scan3A_277 = arith.addi %scan3A_264, %scan3A_276 : i32
          %get3A_278 = arith.index_cast %scan3A_277 : i32 to index
          %get3A_279 = arith.constant 0 : index
          %get3A_280 = tpu.vector_load %arg8[%get3A_278, %get3A_279] {strides = array<i32>} : memref<200x32xf32, #tpu.memory_space<vmem>>, vector<1x16xf32>,
          %get3A_281 = vector.shape_cast %get3A_280 : vector<1x16xf32> to vector<16xf32>
          %add3A_282 = arith.addf %add3A_270, %get3A_281 : vector<16xf32>
          %get3A_283 = arith.index_cast %scan3A_277 : i32 to index
          %get3A_284 = arith.constant 16 : index
          %get3A_285 = tpu.vector_load %arg8[%get3A_283, %get3A_284] {strides = array<i32>} : memref<200x32xf32, #tpu.memory_space<vmem>>, vector<1x16xf32>,
          %get3A_286 = vector.shape_cast %get3A_285 : vector<1x16xf32> to vector<16xf32>
          %add3A_287 = arith.addf %add3A_275, %get3A_286 : vector<16xf32>
          %scan3A_288 = arith.constant 2 : i32
          %scan3A_289 = arith.addi %scan3A_264, %scan3A_288 : i32
          %get3A_290 = arith.index_cast %scan3A_289 : i32 to index
          %get3A_291 = arith.constant 0 : index
          %get3A_292 = tpu.vector_load %arg8[%get3A_290, %get3A_291] {strides = array<i32>} : memref<200x32xf32, #tpu.memory_space<vmem>>, vector<1x16xf32>,
          %get3A_293 = vector.shape_cast %get3A_292 : vector<1x16xf32> to vector<16xf32>
          %add3A_294 = arith.addf %add3A_282, %get3A_293 : vector<16xf32>
          %get3A_295 = arith.index_cast %scan3A_289 : i32 to index
          %get3A_296 = arith.constant 16 : index
          %get3A_297 = tpu.vector_load %arg8[%get3A_295, %get3A_296] {strides = array<i32>} : memref<200x32xf32, #tpu.memory_space<vmem>>, vector<1x16xf32>,
          %get3A_298 = vector.shape_cast %get3A_297 : vector<1x16xf32> to vector<16xf32>
          %add3A_299 = arith.addf %add3A_287, %get3A_298 : vector<16xf32>
          %scan3A_300 = arith.constant 3 : i32
          %scan3A_301 = arith.addi %scan3A_264, %scan3A_300 : i32
          %get3A_302 = arith.index_cast %scan3A_301 : i32 to index
          %get3A_303 = arith.constant 0 : index
          %get3A_304 = tpu.vector_load %arg8[%get3A_302, %get3A_303] {strides = array<i32>} : memref<200x32xf32, #tpu.memory_space<vmem>>, vector<1x16xf32>,
          %get3A_305 = vector.shape_cast %get3A_304 : vector<1x16xf32> to vector<16xf32>
          %add3A_306 = arith.addf %add3A_294, %get3A_305 : vector<16xf32>
          %get3A_307 = arith.index_cast %scan3A_301 : i32 to index
          %get3A_308 = arith.constant 16 : index
          %get3A_309 = tpu.vector_load %arg8[%get3A_307, %get3A_308] {strides = array<i32>} : memref<200x32xf32, #tpu.memory_space<vmem>>, vector<1x16xf32>,
          %get3A_310 = vector.shape_cast %get3A_309 : vector<1x16xf32> to vector<16xf32>
          %add3A_311 = arith.addf %add3A_299, %get3A_310 : vector<16xf32>
          %scan3A_312 = arith.constant 4 : i32
          %scan3A_313 = arith.addi %scan3A_264, %scan3A_312 : i32
          %get3A_314 = arith.index_cast %scan3A_313 : i32 to index
          %get3A_315 = arith.constant 0 : index
          %get3A_316 = tpu.vector_load %arg8[%get3A_314, %get3A_315] {strides = array<i32>} : memref<200x32xf32, #tpu.memory_space<vmem>>, vector<1x16xf32>,
          %get3A_317 = vector.shape_cast %get3A_316 : vector<1x16xf32> to vector<16xf32>
          %add3A_318 = arith.addf %add3A_306, %get3A_317 : vector<16xf32>
          %get3A_319 = arith.index_cast %scan3A_313 : i32 to index
          %get3A_320 = arith.constant 16 : index
          %get3A_321 = tpu.vector_load %arg8[%get3A_319, %get3A_320] {strides = array<i32>} : memref<200x32xf32, #tpu.memory_space<vmem>>, vector<1x16xf32>,
          %get3A_322 = vector.shape_cast %get3A_321 : vector<1x16xf32> to vector<16xf32>
          %add3A_323 = arith.addf %add3A_311, %get3A_322 : vector<16xf32>
          %scan3A_324 = arith.constant 5 : i32
          %scan3A_325 = arith.addi %scan3A_264, %scan3A_324 : i32
          %get3A_326 = arith.index_cast %scan3A_325 : i32 to index
          %get3A_327 = arith.constant 0 : index
          %get3A_328 = tpu.vector_load %arg8[%get3A_326, %get3A_327] {strides = array<i32>} : memref<200x32xf32, #tpu.memory_space<vmem>>, vector<1x16xf32>,
          %get3A_329 = vector.shape_cast %get3A_328 : vector<1x16xf32> to vector<16xf32>
          %add3A_330 = arith.addf %add3A_318, %get3A_329 : vector<16xf32>
          %get3A_331 = arith.index_cast %scan3A_325 : i32 to index
          %get3A_332 = arith.constant 16 : index
          %get3A_333 = tpu.vector_load %arg8[%get3A_331, %get3A_332] {strides = array<i32>} : memref<200x32xf32, #tpu.memory_space<vmem>>, vector<1x16xf32>,
          %get3A_334 = vector.shape_cast %get3A_333 : vector<1x16xf32> to vector<16xf32>
          %add3A_335 = arith.addf %add3A_323, %get3A_334 : vector<16xf32>
          %scan3A_336 = arith.constant 6 : i32
          %scan3A_337 = arith.addi %scan3A_264, %scan3A_336 : i32
          %get3A_338 = arith.index_cast %scan3A_337 : i32 to index
          %get3A_339 = arith.constant 0 : index
          %get3A_340 = tpu.vector_load %arg8[%get3A_338, %get3A_339] {strides = array<i32>} : memref<200x32xf32, #tpu.memory_space<vmem>>, vector<1x16xf32>,
          %get3A_341 = vector.shape_cast %get3A_340 : vector<1x16xf32> to vector<16xf32>
          %add3A_342 = arith.addf %add3A_330, %get3A_341 : vector<16xf32>
          %get3A_343 = arith.index_cast %scan3A_337 : i32 to index
          %get3A_344 = arith.constant 16 : index
          %get3A_345 = tpu.vector_load %arg8[%get3A_343, %get3A_344] {strides = array<i32>} : memref<200x32xf32, #tpu.memory_space<vmem>>, vector<1x16xf32>,
          %get3A_346 = vector.shape_cast %get3A_345 : vector<1x16xf32> to vector<16xf32>
          %add3A_347 = arith.addf %add3A_335, %get3A_346 : vector<16xf32>
          %scan3A_348 = arith.constant 7 : i32
          %scan3A_349 = arith.addi %scan3A_264, %scan3A_348 : i32
          %get3A_350 = arith.index_cast %scan3A_349 : i32 to index
          %get3A_351 = arith.constant 0 : index
          %get3A_352 = tpu.vector_load %arg8[%get3A_350, %get3A_351] {strides = array<i32>} : memref<200x32xf32, #tpu.memory_space<vmem>>, vector<1x16xf32>,
          %get3A_353 = vector.shape_cast %get3A_352 : vector<1x16xf32> to vector<16xf32>
          %add3A_354 = arith.addf %add3A_342, %get3A_353 : vector<16xf32>
          %get3A_355 = arith.index_cast %scan3A_349 : i32 to index
          %get3A_356 = arith.constant 16 : index
          %get3A_357 = tpu.vector_load %arg8[%get3A_355, %get3A_356] {strides = array<i32>} : memref<200x32xf32, #tpu.memory_space<vmem>>, vector<1x16xf32>,
          %get3A_358 = vector.shape_cast %get3A_357 : vector<1x16xf32> to vector<16xf32>
          %add3A_359 = arith.addf %add3A_347, %get3A_358 : vector<16xf32>
          scf.yield %add3A_354, %add3A_359 : vector<16xf32>, vector<16xf32>
        }
        %scan3A_172 = arith.constant 200 : i32
        %swap3A_173 = arith.index_cast %add3A_146 : i32 to index
        %swap3A_174 = arith.constant 0 : index
        %swap3A_175 = tpu.vector_load %arg10[%swap3A_173, %swap3A_174] {strides = array<i32>} : memref<32x32xf32, #tpu.memory_space<vmem>>, vector<1x16xf32>,
        %swap3A_176 = vector.shape_cast %swap3A_175 : vector<1x16xf32> to vector<16xf32>
        %swap3A_177 = vector.shape_cast %scan3A_171#0 : vector<16xf32> to vector<1x16xf32>
        tpu.vector_store %arg10[%swap3A_173, %swap3A_174], %swap3A_177 {strides = array<i32>} : memref<32x32xf32, #tpu.memory_space<vmem>>, vector<1x16xf32>,
        %swap3A_178 = arith.index_cast %add3A_146 : i32 to index
        %swap3A_179 = arith.constant 16 : index
        %swap3A_180 = tpu.vector_load %arg10[%swap3A_178, %swap3A_179] {strides = array<i32>} : memref<32x32xf32, #tpu.memory_space<vmem>>, vector<1x16xf32>,
        %swap3A_181 = vector.shape_cast %swap3A_180 : vector<1x16xf32> to vector<16xf32>
        %swap3A_182 = vector.shape_cast %scan3A_171#1 : vector<16xf32> to vector<1x16xf32>
        tpu.vector_store %arg10[%swap3A_178, %swap3A_179], %swap3A_182 {strides = array<i32>} : memref<32x32xf32, #tpu.memory_space<vmem>>, vector<1x16xf32>,
        %add3A_183 = arith.constant 2 : i32
        %add3A_184 = arith.addi %add3A_146, %add3A_183 : i32
        %dma_start3A_185 = arith.constant 0 : i32
        %dma_start3A_186 = arith.constant 0 : i32
        %dma_start3A_187 = tpu.memref_slice %arg8[%dma_start3A_185, %dma_start3A_186] : memref<200x32xf32, #tpu.memory_space<vmem>> -> memref<128x32xf32, #tpu.memory_space<vmem>>
        %dma_start3A_188 = arith.constant 0 : i32
        %dma_start3A_189 = tpu.memref_slice %arg6[%add3A_184, %dma_start3A_188] : memref<32x128xi32, #tpu.memory_space<vmem>> -> memref<1x128xi32, #tpu.memory_space<vmem>>
        %dma_start3A_190 = tpu.memref_squeeze %dma_start3A_189 : memref<1x128xi32, #tpu.memory_space<vmem>> -> memref<128xi32, #tpu.memory_space<vmem>>
        %dma_start3A_191 = arith.constant 0 : i32
        %dma_start3A_192 = arith.constant 0 : i32
        %dma_start3A_193 = tpu.memref_slice %arg4[%dma_start3A_191, %dma_start3A_192] : memref<1000000x32xf32, #tpu.memory_space<hbm>> -> memref<1000000x32xf32, #tpu.memory_space<hbm>>
        tpu.enqueue_indirect_dma source(%dma_start3A_193 : memref<1000000x32xf32, #tpu.memory_space<hbm>>) target(%dma_start3A_187 : memref<128x32xf32, #tpu.memory_space<vmem>>) offsets(%dma_start3A_190 : memref<128xi32, #tpu.memory_space<vmem>>) semaphore(%arg11 : memref<!tpu.dma_semaphore, #tpu.memory_space<semaphore_mem>>)
        %dma_start3A_194 = arith.constant 128 : i32
        %dma_start3A_195 = arith.constant 0 : i32
        %dma_start3A_196 = tpu.memref_slice %arg8[%dma_start3A_194, %dma_start3A_195] : memref<200x32xf32, #tpu.memory_space<vmem>> -> memref<72x32xf32, #tpu.memory_space<vmem>>
        %dma_start3A_197 = arith.constant 0 : i32
        %dma_start3A_198 = tpu.memref_slice %arg7[%add3A_184, %dma_start3A_197] : memref<32x128xi32, #tpu.memory_space<vmem>> -> memref<1x72xi32, #tpu.memory_space<vmem>>
        %dma_start3A_199 = tpu.memref_squeeze %dma_start3A_198 : memref<1x72xi32, #tpu.memory_space<vmem>> -> memref<72xi32, #tpu.memory_space<vmem>>
        %dma_start3A_200 = arith.constant 0 : i32
        %dma_start3A_201 = arith.constant 0 : i32
        %dma_start3A_202 = tpu.memref_slice %arg4[%dma_start3A_200, %dma_start3A_201] : memref<1000000x32xf32, #tpu.memory_space<hbm>> -> memref<1000000x32xf32, #tpu.memory_space<hbm>>
        tpu.enqueue_indirect_dma source(%dma_start3A_202 : memref<1000000x32xf32, #tpu.memory_space<hbm>>) target(%dma_start3A_196 : memref<72x32xf32, #tpu.memory_space<vmem>>) offsets(%dma_start3A_199 : memref<72xi32, #tpu.memory_space<vmem>>) semaphore(%arg11 : memref<!tpu.dma_semaphore, #tpu.memory_space<semaphore_mem>>)
        %mul3A_203 = arith.constant 2 : i32
        %mul3A_204 = arith.muli %scan3A_141, %mul3A_203 : i32
        %add3A_205 = arith.constant 1 : i32
        %add3A_206 = arith.addi %mul3A_204, %add3A_205 : i32
        %dma_wait3A_207 = arith.constant 0 : i32
        %dma_wait3A_208 = arith.constant 0 : i32
        %dma_wait3A_209 = tpu.memref_slice %arg9[%dma_wait3A_207, %dma_wait3A_208] : memref<200x32xf32, #tpu.memory_space<vmem>> -> memref<128x32xf32, #tpu.memory_space<vmem>>
        %dma_wait3A_210 = arith.constant 0 : i32
        %dma_wait3A_211 = tpu.memref_slice %arg6[%add3A_206, %dma_wait3A_210] : memref<32x128xi32, #tpu.memory_space<vmem>> -> memref<1x128xi32, #tpu.memory_space<vmem>>
        %dma_wait3A_212 = tpu.memref_squeeze %dma_wait3A_211 : memref<1x128xi32, #tpu.memory_space<vmem>> -> memref<128xi32, #tpu.memory_space<vmem>>
        %dma_wait3A_213 = arith.constant 0 : i32
        %dma_wait3A_214 = arith.constant 0 : i32
        %dma_wait3A_215 = tpu.memref_slice %arg4[%dma_wait3A_213, %dma_wait3A_214] : memref<1000000x32xf32, #tpu.memory_space<hbm>> -> memref<1000000x32xf32, #tpu.memory_space<hbm>>
        tpu.wait_indirect_dma semaphore(%arg12 : memref<!tpu.dma_semaphore, #tpu.memory_space<semaphore_mem>>) src(%dma_wait3A_215 : memref<1000000x32xf32, #tpu.memory_space<hbm>>) dst(%dma_wait3A_209 : memref<128x32xf32, #tpu.memory_space<vmem>>)
        %dma_wait3A_216 = arith.constant 128 : i32
        %dma_wait3A_217 = arith.constant 0 : i32
        %dma_wait3A_218 = tpu.memref_slice %arg9[%dma_wait3A_216, %dma_wait3A_217] : memref<200x32xf32, #tpu.memory_space<vmem>> -> memref<72x32xf32, #tpu.memory_space<vmem>>
        %dma_wait3A_219 = arith.constant 0 : i32
        %dma_wait3A_220 = tpu.memref_slice %arg7[%add3A_206, %dma_wait3A_219] : memref<32x128xi32, #tpu.memory_space<vmem>> -> memref<1x72xi32, #tpu.memory_space<vmem>>
        %dma_wait3A_221 = tpu.memref_squeeze %dma_wait3A_220 : memref<1x72xi32, #tpu.memory_space<vmem>> -> memref<72xi32, #tpu.memory_space<vmem>>
        %dma_wait3A_222 = arith.constant 0 : i32
        %dma_wait3A_223 = arith.constant 0 : i32
        %dma_wait3A_224 = tpu.memref_slice %arg4[%dma_wait3A_222, %dma_wait3A_223] : memref<1000000x32xf32, #tpu.memory_space<hbm>> -> memref<1000000x32xf32, #tpu.memory_space<hbm>>
        tpu.wait_indirect_dma semaphore(%arg12 : memref<!tpu.dma_semaphore, #tpu.memory_space<semaphore_mem>>) src(%dma_wait3A_224 : memref<1000000x32xf32, #tpu.memory_space<hbm>>) dst(%dma_wait3A_218 : memref<72x32xf32, #tpu.memory_space<vmem>>)
        %broadcast_in_dim3A_225 = arith.constant 0.000000e+00 : f32
        %broadcast_in_dim3A_226 = vector.broadcast %broadcast_in_dim3A_225 : f32 to vector<16xf32>
        %scan3A_227 = arith.constant 0 : i32
        %scan3A_228 = arith.constant 200 : i32
        %scan3A_229 = arith.addi %scan3A_227, %scan3A_228 : i32
        %scan3A_230 = arith.constant 8 : i32
        %scan3A_231:2 = scf.for %scan3A_264 = %scan3A_227 to %scan3A_229 step %scan3A_230 iter_args(%scan3A_265 = %broadcast_in_dim3A_226, %scan3A_266 = %broadcast_in_dim3A_226) -> (vector<16xf32>, vector<16xf32>)  : i32 {
          %get3A = arith.index_cast %scan3A_264 : i32 to index
          %get3A_267 = arith.constant 0 : index
          %get3A_268 = tpu.vector_load %arg9[%get3A, %get3A_267] {strides = array<i32>} : memref<200x32xf32, #tpu.memory_space<vmem>>, vector<1x16xf32>,
          %get3A_269 = vector.shape_cast %get3A_268 : vector<1x16xf32> to vector<16xf32>
          %add3A_270 = arith.addf %scan3A_265, %get3A_269 : vector<16xf32>
          %get3A_271 = arith.index_cast %scan3A_264 : i32 to index
          %get3A_272 = arith.constant 16 : index
          %get3A_273 = tpu.vector_load %arg9[%get3A_271, %get3A_272] {strides = array<i32>} : memref<200x32xf32, #tpu.memory_space<vmem>>, vector<1x16xf32>,
          %get3A_274 = vector.shape_cast %get3A_273 : vector<1x16xf32> to vector<16xf32>
          %add3A_275 = arith.addf %scan3A_266, %get3A_274 : vector<16xf32>
          %scan3A_276 = arith.constant 1 : i32
          %scan3A_277 = arith.addi %scan3A_264, %scan3A_276 : i32
          %get3A_278 = arith.index_cast %scan3A_277 : i32 to index
          %get3A_279 = arith.constant 0 : index
          %get3A_280 = tpu.vector_load %arg9[%get3A_278, %get3A_279] {strides = array<i32>} : memref<200x32xf32, #tpu.memory_space<vmem>>, vector<1x16xf32>,
          %get3A_281 = vector.shape_cast %get3A_280 : vector<1x16xf32> to vector<16xf32>
          %add3A_282 = arith.addf %add3A_270, %get3A_281 : vector<16xf32>
          %get3A_283 = arith.index_cast %scan3A_277 : i32 to index
          %get3A_284 = arith.constant 16 : index
          %get3A_285 = tpu.vector_load %arg9[%get3A_283, %get3A_284] {strides = array<i32>} : memref<200x32xf32, #tpu.memory_space<vmem>>, vector<1x16xf32>,
          %get3A_286 = vector.shape_cast %get3A_285 : vector<1x16xf32> to vector<16xf32>
          %add3A_287 = arith.addf %add3A_275, %get3A_286 : vector<16xf32>
          %scan3A_288 = arith.constant 2 : i32
          %scan3A_289 = arith.addi %scan3A_264, %scan3A_288 : i32
          %get3A_290 = arith.index_cast %scan3A_289 : i32 to index
          %get3A_291 = arith.constant 0 : index
          %get3A_292 = tpu.vector_load %arg9[%get3A_290, %get3A_291] {strides = array<i32>} : memref<200x32xf32, #tpu.memory_space<vmem>>, vector<1x16xf32>,
          %get3A_293 = vector.shape_cast %get3A_292 : vector<1x16xf32> to vector<16xf32>
          %add3A_294 = arith.addf %add3A_282, %get3A_293 : vector<16xf32>
          %get3A_295 = arith.index_cast %scan3A_289 : i32 to index
          %get3A_296 = arith.constant 16 : index
          %get3A_297 = tpu.vector_load %arg9[%get3A_295, %get3A_296] {strides = array<i32>} : memref<200x32xf32, #tpu.memory_space<vmem>>, vector<1x16xf32>,
          %get3A_298 = vector.shape_cast %get3A_297 : vector<1x16xf32> to vector<16xf32>
          %add3A_299 = arith.addf %add3A_287, %get3A_298 : vector<16xf32>
          %scan3A_300 = arith.constant 3 : i32
          %scan3A_301 = arith.addi %scan3A_264, %scan3A_300 : i32
          %get3A_302 = arith.index_cast %scan3A_301 : i32 to index
          %get3A_303 = arith.constant 0 : index
          %get3A_304 = tpu.vector_load %arg9[%get3A_302, %get3A_303] {strides = array<i32>} : memref<200x32xf32, #tpu.memory_space<vmem>>, vector<1x16xf32>,
          %get3A_305 = vector.shape_cast %get3A_304 : vector<1x16xf32> to vector<16xf32>
          %add3A_306 = arith.addf %add3A_294, %get3A_305 : vector<16xf32>
          %get3A_307 = arith.index_cast %scan3A_301 : i32 to index
          %get3A_308 = arith.constant 16 : index
          %get3A_309 = tpu.vector_load %arg9[%get3A_307, %get3A_308] {strides = array<i32>} : memref<200x32xf32, #tpu.memory_space<vmem>>, vector<1x16xf32>,
          %get3A_310 = vector.shape_cast %get3A_309 : vector<1x16xf32> to vector<16xf32>
          %add3A_311 = arith.addf %add3A_299, %get3A_310 : vector<16xf32>
          %scan3A_312 = arith.constant 4 : i32
          %scan3A_313 = arith.addi %scan3A_264, %scan3A_312 : i32
          %get3A_314 = arith.index_cast %scan3A_313 : i32 to index
          %get3A_315 = arith.constant 0 : index
          %get3A_316 = tpu.vector_load %arg9[%get3A_314, %get3A_315] {strides = array<i32>} : memref<200x32xf32, #tpu.memory_space<vmem>>, vector<1x16xf32>,
          %get3A_317 = vector.shape_cast %get3A_316 : vector<1x16xf32> to vector<16xf32>
          %add3A_318 = arith.addf %add3A_306, %get3A_317 : vector<16xf32>
          %get3A_319 = arith.index_cast %scan3A_313 : i32 to index
          %get3A_320 = arith.constant 16 : index
          %get3A_321 = tpu.vector_load %arg9[%get3A_319, %get3A_320] {strides = array<i32>} : memref<200x32xf32, #tpu.memory_space<vmem>>, vector<1x16xf32>,
          %get3A_322 = vector.shape_cast %get3A_321 : vector<1x16xf32> to vector<16xf32>
          %add3A_323 = arith.addf %add3A_311, %get3A_322 : vector<16xf32>
          %scan3A_324 = arith.constant 5 : i32
          %scan3A_325 = arith.addi %scan3A_264, %scan3A_324 : i32
          %get3A_326 = arith.index_cast %scan3A_325 : i32 to index
          %get3A_327 = arith.constant 0 : index
          %get3A_328 = tpu.vector_load %arg9[%get3A_326, %get3A_327] {strides = array<i32>} : memref<200x32xf32, #tpu.memory_space<vmem>>, vector<1x16xf32>,
          %get3A_329 = vector.shape_cast %get3A_328 : vector<1x16xf32> to vector<16xf32>
          %add3A_330 = arith.addf %add3A_318, %get3A_329 : vector<16xf32>
          %get3A_331 = arith.index_cast %scan3A_325 : i32 to index
          %get3A_332 = arith.constant 16 : index
          %get3A_333 = tpu.vector_load %arg9[%get3A_331, %get3A_332] {strides = array<i32>} : memref<200x32xf32, #tpu.memory_space<vmem>>, vector<1x16xf32>,
          %get3A_334 = vector.shape_cast %get3A_333 : vector<1x16xf32> to vector<16xf32>
          %add3A_335 = arith.addf %add3A_323, %get3A_334 : vector<16xf32>
          %scan3A_336 = arith.constant 6 : i32
          %scan3A_337 = arith.addi %scan3A_264, %scan3A_336 : i32
          %get3A_338 = arith.index_cast %scan3A_337 : i32 to index
          %get3A_339 = arith.constant 0 : index
          %get3A_340 = tpu.vector_load %arg9[%get3A_338, %get3A_339] {strides = array<i32>} : memref<200x32xf32, #tpu.memory_space<vmem>>, vector<1x16xf32>,
          %get3A_341 = vector.shape_cast %get3A_340 : vector<1x16xf32> to vector<16xf32>
          %add3A_342 = arith.addf %add3A_330, %get3A_341 : vector<16xf32>
          %get3A_343 = arith.index_cast %scan3A_337 : i32 to index
          %get3A_344 = arith.constant 16 : index
          %get3A_345 = tpu.vector_load %arg9[%get3A_343, %get3A_344] {strides = array<i32>} : memref<200x32xf32, #tpu.memory_space<vmem>>, vector<1x16xf32>,
          %get3A_346 = vector.shape_cast %get3A_345 : vector<1x16xf32> to vector<16xf32>
          %add3A_347 = arith.addf %add3A_335, %get3A_346 : vector<16xf32>
          %scan3A_348 = arith.constant 7 : i32
          %scan3A_349 = arith.addi %scan3A_264, %scan3A_348 : i32
          %get3A_350 = arith.index_cast %scan3A_349 : i32 to index
          %get3A_351 = arith.constant 0 : index
          %get3A_352 = tpu.vector_load %arg9[%get3A_350, %get3A_351] {strides = array<i32>} : memref<200x32xf32, #tpu.memory_space<vmem>>, vector<1x16xf32>,
          %get3A_353 = vector.shape_cast %get3A_352 : vector<1x16xf32> to vector<16xf32>
          %add3A_354 = arith.addf %add3A_342, %get3A_353 : vector<16xf32>
          %get3A_355 = arith.index_cast %scan3A_349 : i32 to index
          %get3A_356 = arith.constant 16 : index
          %get3A_357 = tpu.vector_load %arg9[%get3A_355, %get3A_356] {strides = array<i32>} : memref<200x32xf32, #tpu.memory_space<vmem>>, vector<1x16xf32>,
          %get3A_358 = vector.shape_cast %get3A_357 : vector<1x16xf32> to vector<16xf32>
          %add3A_359 = arith.addf %add3A_347, %get3A_358 : vector<16xf32>
          scf.yield %add3A_354, %add3A_359 : vector<16xf32>, vector<16xf32>
        }
        %scan3A_232 = arith.constant 200 : i32
        %swap3A_233 = arith.index_cast %add3A_206 : i32 to index
        %swap3A_234 = arith.constant 0 : index
        %swap3A_235 = tpu.vector_load %arg10[%swap3A_233, %swap3A_234] {strides = array<i32>} : memref<32x32xf32, #tpu.memory_space<vmem>>, vector<1x16xf32>,
        %swap3A_236 = vector.shape_cast %swap3A_235 : vector<1x16xf32> to vector<16xf32>
        %swap3A_237 = vector.shape_cast %scan3A_231#0 : vector<16xf32> to vector<1x16xf32>
        tpu.vector_store %arg10[%swap3A_233, %swap3A_234], %swap3A_237 {strides = array<i32>} : memref<32x32xf32, #tpu.memory_space<vmem>>, vector<1x16xf32>,
        %swap3A_238 = arith.index_cast %add3A_206 : i32 to index
        %swap3A_239 = arith.constant 16 : index
        %swap3A_240 = tpu.vector_load %arg10[%swap3A_238, %swap3A_239] {strides = array<i32>} : memref<32x32xf32, #tpu.memory_space<vmem>>, vector<1x16xf32>,
        %swap3A_241 = vector.shape_cast %swap3A_240 : vector<1x16xf32> to vector<16xf32>
        %swap3A_242 = vector.shape_cast %scan3A_231#1 : vector<16xf32> to vector<1x16xf32>
        tpu.vector_store %arg10[%swap3A_238, %swap3A_239], %swap3A_242 {strides = array<i32>} : memref<32x32xf32, #tpu.memory_space<vmem>>, vector<1x16xf32>,
        %add3A_243 = arith.constant 2 : i32
        %add3A_244 = arith.addi %add3A_206, %add3A_243 : i32
        %dma_start3A_245 = arith.constant 0 : i32
        %dma_start3A_246 = arith.constant 0 : i32
        %dma_start3A_247 = tpu.memref_slice %arg9[%dma_start3A_245, %dma_start3A_246] : memref<200x32xf32, #tpu.memory_space<vmem>> -> memref<128x32xf32, #tpu.memory_space<vmem>>
        %dma_start3A_248 = arith.constant 0 : i32
        %dma_start3A_249 = tpu.memref_slice %arg6[%add3A_244, %dma_start3A_248] : memref<32x128xi32, #tpu.memory_space<vmem>> -> memref<1x128xi32, #tpu.memory_space<vmem>>
        %dma_start3A_250 = tpu.memref_squeeze %dma_start3A_249 : memref<1x128xi32, #tpu.memory_space<vmem>> -> memref<128xi32, #tpu.memory_space<vmem>>
        %dma_start3A_251 = arith.constant 0 : i32
        %dma_start3A_252 = arith.constant 0 : i32
        %dma_start3A_253 = tpu.memref_slice %arg4[%dma_start3A_251, %dma_start3A_252] : memref<1000000x32xf32, #tpu.memory_space<hbm>> -> memref<1000000x32xf32, #tpu.memory_space<hbm>>
        tpu.enqueue_indirect_dma source(%dma_start3A_253 : memref<1000000x32xf32, #tpu.memory_space<hbm>>) target(%dma_start3A_247 : memref<128x32xf32, #tpu.memory_space<vmem>>) offsets(%dma_start3A_250 : memref<128xi32, #tpu.memory_space<vmem>>) semaphore(%arg12 : memref<!tpu.dma_semaphore, #tpu.memory_space<semaphore_mem>>)
        %dma_start3A_254 = arith.constant 128 : i32
        %dma_start3A_255 = arith.constant 0 : i32
        %dma_start3A_256 = tpu.memref_slice %arg9[%dma_start3A_254, %dma_start3A_255] : memref<200x32xf32, #tpu.memory_space<vmem>> -> memref<72x32xf32, #tpu.memory_space<vmem>>
        %dma_start3A_257 = arith.constant 0 : i32
        %dma_start3A_258 = tpu.memref_slice %arg7[%add3A_244, %dma_start3A_257] : memref<32x128xi32, #tpu.memory_space<vmem>> -> memref<1x72xi32, #tpu.memory_space<vmem>>
        %dma_start3A_259 = tpu.memref_squeeze %dma_start3A_258 : memref<1x72xi32, #tpu.memory_space<vmem>> -> memref<72xi32, #tpu.memory_space<vmem>>
        %dma_start3A_260 = arith.constant 0 : i32
        %dma_start3A_261 = arith.constant 0 : i32
        %dma_start3A_262 = tpu.memref_slice %arg4[%dma_start3A_260, %dma_start3A_261] : memref<1000000x32xf32, #tpu.memory_space<hbm>> -> memref<1000000x32xf32, #tpu.memory_space<hbm>>
        tpu.enqueue_indirect_dma source(%dma_start3A_262 : memref<1000000x32xf32, #tpu.memory_space<hbm>>) target(%dma_start3A_256 : memref<72x32xf32, #tpu.memory_space<vmem>>) offsets(%dma_start3A_259 : memref<72xi32, #tpu.memory_space<vmem>>) semaphore(%arg12 : memref<!tpu.dma_semaphore, #tpu.memory_space<semaphore_mem>>)
        %scan3A_263 = arith.constant 0 : i32
        scf.yield %scan3A_263 : i32
      }
      %scan3A_59 = arith.constant 15 : i32
      %dma_wait3A = arith.constant 30 : i32
      %dma_wait3A_60 = arith.constant 0 : i32
      %dma_wait3A_61 = arith.constant 0 : i32
      %dma_wait3A_62 = tpu.memref_slice %arg8[%dma_wait3A_60, %dma_wait3A_61] : memref<200x32xf32, #tpu.memory_space<vmem>> -> memref<128x32xf32, #tpu.memory_space<vmem>>
      %dma_wait3A_63 = arith.constant 0 : i32
      %dma_wait3A_64 = tpu.memref_slice %arg6[%dma_wait3A, %dma_wait3A_63] : memref<32x128xi32, #tpu.memory_space<vmem>> -> memref<1x128xi32, #tpu.memory_space<vmem>>
      %dma_wait3A_65 = tpu.memref_squeeze %dma_wait3A_64 : memref<1x128xi32, #tpu.memory_space<vmem>> -> memref<128xi32, #tpu.memory_space<vmem>>
      %dma_wait3A_66 = arith.constant 0 : i32
      %dma_wait3A_67 = arith.constant 0 : i32
      %dma_wait3A_68 = tpu.memref_slice %arg4[%dma_wait3A_66, %dma_wait3A_67] : memref<1000000x32xf32, #tpu.memory_space<hbm>> -> memref<1000000x32xf32, #tpu.memory_space<hbm>>
      tpu.wait_indirect_dma semaphore(%arg11 : memref<!tpu.dma_semaphore, #tpu.memory_space<semaphore_mem>>) src(%dma_wait3A_68 : memref<1000000x32xf32, #tpu.memory_space<hbm>>) dst(%dma_wait3A_62 : memref<128x32xf32, #tpu.memory_space<vmem>>)
      %dma_wait3A_69 = arith.constant 30 : i32
      %dma_wait3A_70 = arith.constant 128 : i32
      %dma_wait3A_71 = arith.constant 0 : i32
      %dma_wait3A_72 = tpu.memref_slice %arg8[%dma_wait3A_70, %dma_wait3A_71] : memref<200x32xf32, #tpu.memory_space<vmem>> -> memref<72x32xf32, #tpu.memory_space<vmem>>
      %dma_wait3A_73 = arith.constant 0 : i32
      %dma_wait3A_74 = tpu.memref_slice %arg7[%dma_wait3A_69, %dma_wait3A_73] : memref<32x128xi32, #tpu.memory_space<vmem>> -> memref<1x72xi32, #tpu.memory_space<vmem>>
      %dma_wait3A_75 = tpu.memref_squeeze %dma_wait3A_74 : memref<1x72xi32, #tpu.memory_space<vmem>> -> memref<72xi32, #tpu.memory_space<vmem>>
      %dma_wait3A_76 = arith.constant 0 : i32
      %dma_wait3A_77 = arith.constant 0 : i32
      %dma_wait3A_78 = tpu.memref_slice %arg4[%dma_wait3A_76, %dma_wait3A_77] : memref<1000000x32xf32, #tpu.memory_space<hbm>> -> memref<1000000x32xf32, #tpu.memory_space<hbm>>
      tpu.wait_indirect_dma semaphore(%arg11 : memref<!tpu.dma_semaphore, #tpu.memory_space<semaphore_mem>>) src(%dma_wait3A_78 : memref<1000000x32xf32, #tpu.memory_space<hbm>>) dst(%dma_wait3A_72 : memref<72x32xf32, #tpu.memory_space<vmem>>)
      %broadcast_in_dim3A = arith.constant 0.000000e+00 : f32
      %broadcast_in_dim3A_79 = vector.broadcast %broadcast_in_dim3A : f32 to vector<16xf32>
      %scan3A_80 = arith.constant 0 : i32
      %scan3A_81 = arith.constant 200 : i32
      %scan3A_82 = arith.addi %scan3A_80, %scan3A_81 : i32
      %scan3A_83 = arith.constant 8 : i32
      %scan3A_84:2 = scf.for %scan3A_141 = %scan3A_80 to %scan3A_82 step %scan3A_83 iter_args(%scan3A_142 = %broadcast_in_dim3A_79, %scan3A_143 = %broadcast_in_dim3A_79) -> (vector<16xf32>, vector<16xf32>)  : i32 {
        %get3A = arith.index_cast %scan3A_141 : i32 to index
        %get3A_144 = arith.constant 0 : index
        %get3A_145 = tpu.vector_load %arg8[%get3A, %get3A_144] {strides = array<i32>} : memref<200x32xf32, #tpu.memory_space<vmem>>, vector<1x16xf32>,
        %get3A_146 = vector.shape_cast %get3A_145 : vector<1x16xf32> to vector<16xf32>
        %add3A_147 = arith.addf %scan3A_142, %get3A_146 : vector<16xf32>
        %get3A_148 = arith.index_cast %scan3A_141 : i32 to index
        %get3A_149 = arith.constant 16 : index
        %get3A_150 = tpu.vector_load %arg8[%get3A_148, %get3A_149] {strides = array<i32>} : memref<200x32xf32, #tpu.memory_space<vmem>>, vector<1x16xf32>,
        %get3A_151 = vector.shape_cast %get3A_150 : vector<1x16xf32> to vector<16xf32>
        %add3A_152 = arith.addf %scan3A_143, %get3A_151 : vector<16xf32>
        %scan3A_153 = arith.constant 1 : i32
        %scan3A_154 = arith.addi %scan3A_141, %scan3A_153 : i32
        %get3A_155 = arith.index_cast %scan3A_154 : i32 to index
        %get3A_156 = arith.constant 0 : index
        %get3A_157 = tpu.vector_load %arg8[%get3A_155, %get3A_156] {strides = array<i32>} : memref<200x32xf32, #tpu.memory_space<vmem>>, vector<1x16xf32>,
        %get3A_158 = vector.shape_cast %get3A_157 : vector<1x16xf32> to vector<16xf32>
        %add3A_159 = arith.addf %add3A_147, %get3A_158 : vector<16xf32>
        %get3A_160 = arith.index_cast %scan3A_154 : i32 to index
        %get3A_161 = arith.constant 16 : index
        %get3A_162 = tpu.vector_load %arg8[%get3A_160, %get3A_161] {strides = array<i32>} : memref<200x32xf32, #tpu.memory_space<vmem>>, vector<1x16xf32>,
        %get3A_163 = vector.shape_cast %get3A_162 : vector<1x16xf32> to vector<16xf32>
        %add3A_164 = arith.addf %add3A_152, %get3A_163 : vector<16xf32>
        %scan3A_165 = arith.constant 2 : i32
        %scan3A_166 = arith.addi %scan3A_141, %scan3A_165 : i32
        %get3A_167 = arith.index_cast %scan3A_166 : i32 to index
        %get3A_168 = arith.constant 0 : index
        %get3A_169 = tpu.vector_load %arg8[%get3A_167, %get3A_168] {strides = array<i32>} : memref<200x32xf32, #tpu.memory_space<vmem>>, vector<1x16xf32>,
        %get3A_170 = vector.shape_cast %get3A_169 : vector<1x16xf32> to vector<16xf32>
        %add3A_171 = arith.addf %add3A_159, %get3A_170 : vector<16xf32>
        %get3A_172 = arith.index_cast %scan3A_166 : i32 to index
        %get3A_173 = arith.constant 16 : index
        %get3A_174 = tpu.vector_load %arg8[%get3A_172, %get3A_173] {strides = array<i32>} : memref<200x32xf32, #tpu.memory_space<vmem>>, vector<1x16xf32>,
        %get3A_175 = vector.shape_cast %get3A_174 : vector<1x16xf32> to vector<16xf32>
        %add3A_176 = arith.addf %add3A_164, %get3A_175 : vector<16xf32>
        %scan3A_177 = arith.constant 3 : i32
        %scan3A_178 = arith.addi %scan3A_141, %scan3A_177 : i32
        %get3A_179 = arith.index_cast %scan3A_178 : i32 to index
        %get3A_180 = arith.constant 0 : index
        %get3A_181 = tpu.vector_load %arg8[%get3A_179, %get3A_180] {strides = array<i32>} : memref<200x32xf32, #tpu.memory_space<vmem>>, vector<1x16xf32>,
        %get3A_182 = vector.shape_cast %get3A_181 : vector<1x16xf32> to vector<16xf32>
        %add3A_183 = arith.addf %add3A_171, %get3A_182 : vector<16xf32>
        %get3A_184 = arith.index_cast %scan3A_178 : i32 to index
        %get3A_185 = arith.constant 16 : index
        %get3A_186 = tpu.vector_load %arg8[%get3A_184, %get3A_185] {strides = array<i32>} : memref<200x32xf32, #tpu.memory_space<vmem>>, vector<1x16xf32>,
        %get3A_187 = vector.shape_cast %get3A_186 : vector<1x16xf32> to vector<16xf32>
        %add3A_188 = arith.addf %add3A_176, %get3A_187 : vector<16xf32>
        %scan3A_189 = arith.constant 4 : i32
        %scan3A_190 = arith.addi %scan3A_141, %scan3A_189 : i32
        %get3A_191 = arith.index_cast %scan3A_190 : i32 to index
        %get3A_192 = arith.constant 0 : index
        %get3A_193 = tpu.vector_load %arg8[%get3A_191, %get3A_192] {strides = array<i32>} : memref<200x32xf32, #tpu.memory_space<vmem>>, vector<1x16xf32>,
        %get3A_194 = vector.shape_cast %get3A_193 : vector<1x16xf32> to vector<16xf32>
        %add3A_195 = arith.addf %add3A_183, %get3A_194 : vector<16xf32>
        %get3A_196 = arith.index_cast %scan3A_190 : i32 to index
        %get3A_197 = arith.constant 16 : index
        %get3A_198 = tpu.vector_load %arg8[%get3A_196, %get3A_197] {strides = array<i32>} : memref<200x32xf32, #tpu.memory_space<vmem>>, vector<1x16xf32>,
        %get3A_199 = vector.shape_cast %get3A_198 : vector<1x16xf32> to vector<16xf32>
        %add3A_200 = arith.addf %add3A_188, %get3A_199 : vector<16xf32>
        %scan3A_201 = arith.constant 5 : i32
        %scan3A_202 = arith.addi %scan3A_141, %scan3A_201 : i32
        %get3A_203 = arith.index_cast %scan3A_202 : i32 to index
        %get3A_204 = arith.constant 0 : index
        %get3A_205 = tpu.vector_load %arg8[%get3A_203, %get3A_204] {strides = array<i32>} : memref<200x32xf32, #tpu.memory_space<vmem>>, vector<1x16xf32>,
        %get3A_206 = vector.shape_cast %get3A_205 : vector<1x16xf32> to vector<16xf32>
        %add3A_207 = arith.addf %add3A_195, %get3A_206 : vector<16xf32>
        %get3A_208 = arith.index_cast %scan3A_202 : i32 to index
        %get3A_209 = arith.constant 16 : index
        %get3A_210 = tpu.vector_load %arg8[%get3A_208, %get3A_209] {strides = array<i32>} : memref<200x32xf32, #tpu.memory_space<vmem>>, vector<1x16xf32>,
        %get3A_211 = vector.shape_cast %get3A_210 : vector<1x16xf32> to vector<16xf32>
        %add3A_212 = arith.addf %add3A_200, %get3A_211 : vector<16xf32>
        %scan3A_213 = arith.constant 6 : i32
        %scan3A_214 = arith.addi %scan3A_141, %scan3A_213 : i32
        %get3A_215 = arith.index_cast %scan3A_214 : i32 to index
        %get3A_216 = arith.constant 0 : index
        %get3A_217 = tpu.vector_load %arg8[%get3A_215, %get3A_216] {strides = array<i32>} : memref<200x32xf32, #tpu.memory_space<vmem>>, vector<1x16xf32>,
        %get3A_218 = vector.shape_cast %get3A_217 : vector<1x16xf32> to vector<16xf32>
        %add3A_219 = arith.addf %add3A_207, %get3A_218 : vector<16xf32>
        %get3A_220 = arith.index_cast %scan3A_214 : i32 to index
        %get3A_221 = arith.constant 16 : index
        %get3A_222 = tpu.vector_load %arg8[%get3A_220, %get3A_221] {strides = array<i32>} : memref<200x32xf32, #tpu.memory_space<vmem>>, vector<1x16xf32>,
        %get3A_223 = vector.shape_cast %get3A_222 : vector<1x16xf32> to vector<16xf32>
        %add3A_224 = arith.addf %add3A_212, %get3A_223 : vector<16xf32>
        %scan3A_225 = arith.constant 7 : i32
        %scan3A_226 = arith.addi %scan3A_141, %scan3A_225 : i32
        %get3A_227 = arith.index_cast %scan3A_226 : i32 to index
        %get3A_228 = arith.constant 0 : index
        %get3A_229 = tpu.vector_load %arg8[%get3A_227, %get3A_228] {strides = array<i32>} : memref<200x32xf32, #tpu.memory_space<vmem>>, vector<1x16xf32>,
        %get3A_230 = vector.shape_cast %get3A_229 : vector<1x16xf32> to vector<16xf32>
        %add3A_231 = arith.addf %add3A_219, %get3A_230 : vector<16xf32>
        %get3A_232 = arith.index_cast %scan3A_226 : i32 to index
        %get3A_233 = arith.constant 16 : index
        %get3A_234 = tpu.vector_load %arg8[%get3A_232, %get3A_233] {strides = array<i32>} : memref<200x32xf32, #tpu.memory_space<vmem>>, vector<1x16xf32>,
        %get3A_235 = vector.shape_cast %get3A_234 : vector<1x16xf32> to vector<16xf32>
        %add3A_236 = arith.addf %add3A_224, %get3A_235 : vector<16xf32>
        scf.yield %add3A_231, %add3A_236 : vector<16xf32>, vector<16xf32>
      }
      %scan3A_85 = arith.constant 200 : i32
      %swap3A = arith.constant 30 : i32
      %swap3A_86 = arith.index_cast %swap3A : i32 to index
      %swap3A_87 = arith.constant 0 : index
      %swap3A_88 = tpu.vector_load %arg10[%swap3A_86, %swap3A_87] {strides = array<i32>} : memref<32x32xf32, #tpu.memory_space<vmem>>, vector<1x16xf32>,
      %swap3A_89 = vector.shape_cast %swap3A_88 : vector<1x16xf32> to vector<16xf32>
      %swap3A_90 = vector.shape_cast %scan3A_84#0 : vector<16xf32> to vector<1x16xf32>
      tpu.vector_store %arg10[%swap3A_86, %swap3A_87], %swap3A_90 {strides = array<i32>} : memref<32x32xf32, #tpu.memory_space<vmem>>, vector<1x16xf32>,
      %swap3A_91 = arith.constant 30 : i32
      %swap3A_92 = arith.index_cast %swap3A_91 : i32 to index
      %swap3A_93 = arith.constant 16 : index
      %swap3A_94 = tpu.vector_load %arg10[%swap3A_92, %swap3A_93] {strides = array<i32>} : memref<32x32xf32, #tpu.memory_space<vmem>>, vector<1x16xf32>,
      %swap3A_95 = vector.shape_cast %swap3A_94 : vector<1x16xf32> to vector<16xf32>
      %swap3A_96 = vector.shape_cast %scan3A_84#1 : vector<16xf32> to vector<1x16xf32>
      tpu.vector_store %arg10[%swap3A_92, %swap3A_93], %swap3A_96 {strides = array<i32>} : memref<32x32xf32, #tpu.memory_space<vmem>>, vector<1x16xf32>,
      %dma_wait3A_97 = arith.constant 31 : i32
      %dma_wait3A_98 = arith.constant 0 : i32
      %dma_wait3A_99 = arith.constant 0 : i32
      %dma_wait3A_100 = tpu.memref_slice %arg9[%dma_wait3A_98, %dma_wait3A_99] : memref<200x32xf32, #tpu.memory_space<vmem>> -> memref<128x32xf32, #tpu.memory_space<vmem>>
      %dma_wait3A_101 = arith.constant 0 : i32
      %dma_wait3A_102 = tpu.memref_slice %arg6[%dma_wait3A_97, %dma_wait3A_101] : memref<32x128xi32, #tpu.memory_space<vmem>> -> memref<1x128xi32, #tpu.memory_space<vmem>>
      %dma_wait3A_103 = tpu.memref_squeeze %dma_wait3A_102 : memref<1x128xi32, #tpu.memory_space<vmem>> -> memref<128xi32, #tpu.memory_space<vmem>>
      %dma_wait3A_104 = arith.constant 0 : i32
      %dma_wait3A_105 = arith.constant 0 : i32
      %dma_wait3A_106 = tpu.memref_slice %arg4[%dma_wait3A_104, %dma_wait3A_105] : memref<1000000x32xf32, #tpu.memory_space<hbm>> -> memref<1000000x32xf32, #tpu.memory_space<hbm>>
      tpu.wait_indirect_dma semaphore(%arg12 : memref<!tpu.dma_semaphore, #tpu.memory_space<semaphore_mem>>) src(%dma_wait3A_106 : memref<1000000x32xf32, #tpu.memory_space<hbm>>) dst(%dma_wait3A_100 : memref<128x32xf32, #tpu.memory_space<vmem>>)
      %dma_wait3A_107 = arith.constant 31 : i32
      %dma_wait3A_108 = arith.constant 128 : i32
      %dma_wait3A_109 = arith.constant 0 : i32
      %dma_wait3A_110 = tpu.memref_slice %arg9[%dma_wait3A_108, %dma_wait3A_109] : memref<200x32xf32, #tpu.memory_space<vmem>> -> memref<72x32xf32, #tpu.memory_space<vmem>>
      %dma_wait3A_111 = arith.constant 0 : i32
      %dma_wait3A_112 = tpu.memref_slice %arg7[%dma_wait3A_107, %dma_wait3A_111] : memref<32x128xi32, #tpu.memory_space<vmem>> -> memref<1x72xi32, #tpu.memory_space<vmem>>
      %dma_wait3A_113 = tpu.memref_squeeze %dma_wait3A_112 : memref<1x72xi32, #tpu.memory_space<vmem>> -> memref<72xi32, #tpu.memory_space<vmem>>
      %dma_wait3A_114 = arith.constant 0 : i32
      %dma_wait3A_115 = arith.constant 0 : i32
      %dma_wait3A_116 = tpu.memref_slice %arg4[%dma_wait3A_114, %dma_wait3A_115] : memref<1000000x32xf32, #tpu.memory_space<hbm>> -> memref<1000000x32xf32, #tpu.memory_space<hbm>>
      tpu.wait_indirect_dma semaphore(%arg12 : memref<!tpu.dma_semaphore, #tpu.memory_space<semaphore_mem>>) src(%dma_wait3A_116 : memref<1000000x32xf32, #tpu.memory_space<hbm>>) dst(%dma_wait3A_110 : memref<72x32xf32, #tpu.memory_space<vmem>>)
      %broadcast_in_dim3A_117 = arith.constant 0.000000e+00 : f32
      %broadcast_in_dim3A_118 = vector.broadcast %broadcast_in_dim3A_117 : f32 to vector<16xf32>
      %scan3A_119 = arith.constant 0 : i32
      %scan3A_120 = arith.constant 200 : i32
      %scan3A_121 = arith.addi %scan3A_119, %scan3A_120 : i32
      %scan3A_122 = arith.constant 8 : i32
      %scan3A_123:2 = scf.for %scan3A_141 = %scan3A_119 to %scan3A_121 step %scan3A_122 iter_args(%scan3A_142 = %broadcast_in_dim3A_118, %scan3A_143 = %broadcast_in_dim3A_118) -> (vector<16xf32>, vector<16xf32>)  : i32 {
        %get3A = arith.index_cast %scan3A_141 : i32 to index
        %get3A_144 = arith.constant 0 : index
        %get3A_145 = tpu.vector_load %arg9[%get3A, %get3A_144] {strides = array<i32>} : memref<200x32xf32, #tpu.memory_space<vmem>>, vector<1x16xf32>,
        %get3A_146 = vector.shape_cast %get3A_145 : vector<1x16xf32> to vector<16xf32>
        %add3A_147 = arith.addf %scan3A_142, %get3A_146 : vector<16xf32>
        %get3A_148 = arith.index_cast %scan3A_141 : i32 to index
        %get3A_149 = arith.constant 16 : index
        %get3A_150 = tpu.vector_load %arg9[%get3A_148, %get3A_149] {strides = array<i32>} : memref<200x32xf32, #tpu.memory_space<vmem>>, vector<1x16xf32>,
        %get3A_151 = vector.shape_cast %get3A_150 : vector<1x16xf32> to vector<16xf32>
        %add3A_152 = arith.addf %scan3A_143, %get3A_151 : vector<16xf32>
        %scan3A_153 = arith.constant 1 : i32
        %scan3A_154 = arith.addi %scan3A_141, %scan3A_153 : i32
        %get3A_155 = arith.index_cast %scan3A_154 : i32 to index
        %get3A_156 = arith.constant 0 : index
        %get3A_157 = tpu.vector_load %arg9[%get3A_155, %get3A_156] {strides = array<i32>} : memref<200x32xf32, #tpu.memory_space<vmem>>, vector<1x16xf32>,
        %get3A_158 = vector.shape_cast %get3A_157 : vector<1x16xf32> to vector<16xf32>
        %add3A_159 = arith.addf %add3A_147, %get3A_158 : vector<16xf32>
        %get3A_160 = arith.index_cast %scan3A_154 : i32 to index
        %get3A_161 = arith.constant 16 : index
        %get3A_162 = tpu.vector_load %arg9[%get3A_160, %get3A_161] {strides = array<i32>} : memref<200x32xf32, #tpu.memory_space<vmem>>, vector<1x16xf32>,
        %get3A_163 = vector.shape_cast %get3A_162 : vector<1x16xf32> to vector<16xf32>
        %add3A_164 = arith.addf %add3A_152, %get3A_163 : vector<16xf32>
        %scan3A_165 = arith.constant 2 : i32
        %scan3A_166 = arith.addi %scan3A_141, %scan3A_165 : i32
        %get3A_167 = arith.index_cast %scan3A_166 : i32 to index
        %get3A_168 = arith.constant 0 : index
        %get3A_169 = tpu.vector_load %arg9[%get3A_167, %get3A_168] {strides = array<i32>} : memref<200x32xf32, #tpu.memory_space<vmem>>, vector<1x16xf32>,
        %get3A_170 = vector.shape_cast %get3A_169 : vector<1x16xf32> to vector<16xf32>
        %add3A_171 = arith.addf %add3A_159, %get3A_170 : vector<16xf32>
        %get3A_172 = arith.index_cast %scan3A_166 : i32 to index
        %get3A_173 = arith.constant 16 : index
        %get3A_174 = tpu.vector_load %arg9[%get3A_172, %get3A_173] {strides = array<i32>} : memref<200x32xf32, #tpu.memory_space<vmem>>, vector<1x16xf32>,
        %get3A_175 = vector.shape_cast %get3A_174 : vector<1x16xf32> to vector<16xf32>
        %add3A_176 = arith.addf %add3A_164, %get3A_175 : vector<16xf32>
        %scan3A_177 = arith.constant 3 : i32
        %scan3A_178 = arith.addi %scan3A_141, %scan3A_177 : i32
        %get3A_179 = arith.index_cast %scan3A_178 : i32 to index
        %get3A_180 = arith.constant 0 : index
        %get3A_181 = tpu.vector_load %arg9[%get3A_179, %get3A_180] {strides = array<i32>} : memref<200x32xf32, #tpu.memory_space<vmem>>, vector<1x16xf32>,
        %get3A_182 = vector.shape_cast %get3A_181 : vector<1x16xf32> to vector<16xf32>
        %add3A_183 = arith.addf %add3A_171, %get3A_182 : vector<16xf32>
        %get3A_184 = arith.index_cast %scan3A_178 : i32 to index
        %get3A_185 = arith.constant 16 : index
        %get3A_186 = tpu.vector_load %arg9[%get3A_184, %get3A_185] {strides = array<i32>} : memref<200x32xf32, #tpu.memory_space<vmem>>, vector<1x16xf32>,
        %get3A_187 = vector.shape_cast %get3A_186 : vector<1x16xf32> to vector<16xf32>
        %add3A_188 = arith.addf %add3A_176, %get3A_187 : vector<16xf32>
        %scan3A_189 = arith.constant 4 : i32
        %scan3A_190 = arith.addi %scan3A_141, %scan3A_189 : i32
        %get3A_191 = arith.index_cast %scan3A_190 : i32 to index
        %get3A_192 = arith.constant 0 : index
        %get3A_193 = tpu.vector_load %arg9[%get3A_191, %get3A_192] {strides = array<i32>} : memref<200x32xf32, #tpu.memory_space<vmem>>, vector<1x16xf32>,
        %get3A_194 = vector.shape_cast %get3A_193 : vector<1x16xf32> to vector<16xf32>
        %add3A_195 = arith.addf %add3A_183, %get3A_194 : vector<16xf32>
        %get3A_196 = arith.index_cast %scan3A_190 : i32 to index
        %get3A_197 = arith.constant 16 : index
        %get3A_198 = tpu.vector_load %arg9[%get3A_196, %get3A_197] {strides = array<i32>} : memref<200x32xf32, #tpu.memory_space<vmem>>, vector<1x16xf32>,
        %get3A_199 = vector.shape_cast %get3A_198 : vector<1x16xf32> to vector<16xf32>
        %add3A_200 = arith.addf %add3A_188, %get3A_199 : vector<16xf32>
        %scan3A_201 = arith.constant 5 : i32
        %scan3A_202 = arith.addi %scan3A_141, %scan3A_201 : i32
        %get3A_203 = arith.index_cast %scan3A_202 : i32 to index
        %get3A_204 = arith.constant 0 : index
        %get3A_205 = tpu.vector_load %arg9[%get3A_203, %get3A_204] {strides = array<i32>} : memref<200x32xf32, #tpu.memory_space<vmem>>, vector<1x16xf32>,
        %get3A_206 = vector.shape_cast %get3A_205 : vector<1x16xf32> to vector<16xf32>
        %add3A_207 = arith.addf %add3A_195, %get3A_206 : vector<16xf32>
        %get3A_208 = arith.index_cast %scan3A_202 : i32 to index
        %get3A_209 = arith.constant 16 : index
        %get3A_210 = tpu.vector_load %arg9[%get3A_208, %get3A_209] {strides = array<i32>} : memref<200x32xf32, #tpu.memory_space<vmem>>, vector<1x16xf32>,
        %get3A_211 = vector.shape_cast %get3A_210 : vector<1x16xf32> to vector<16xf32>
        %add3A_212 = arith.addf %add3A_200, %get3A_211 : vector<16xf32>
        %scan3A_213 = arith.constant 6 : i32
        %scan3A_214 = arith.addi %scan3A_141, %scan3A_213 : i32
        %get3A_215 = arith.index_cast %scan3A_214 : i32 to index
        %get3A_216 = arith.constant 0 : index
        %get3A_217 = tpu.vector_load %arg9[%get3A_215, %get3A_216] {strides = array<i32>} : memref<200x32xf32, #tpu.memory_space<vmem>>, vector<1x16xf32>,
        %get3A_218 = vector.shape_cast %get3A_217 : vector<1x16xf32> to vector<16xf32>
        %add3A_219 = arith.addf %add3A_207, %get3A_218 : vector<16xf32>
        %get3A_220 = arith.index_cast %scan3A_214 : i32 to index
        %get3A_221 = arith.constant 16 : index
        %get3A_222 = tpu.vector_load %arg9[%get3A_220, %get3A_221] {strides = array<i32>} : memref<200x32xf32, #tpu.memory_space<vmem>>, vector<1x16xf32>,
        %get3A_223 = vector.shape_cast %get3A_222 : vector<1x16xf32> to vector<16xf32>
        %add3A_224 = arith.addf %add3A_212, %get3A_223 : vector<16xf32>
        %scan3A_225 = arith.constant 7 : i32
        %scan3A_226 = arith.addi %scan3A_141, %scan3A_225 : i32
        %get3A_227 = arith.index_cast %scan3A_226 : i32 to index
        %get3A_228 = arith.constant 0 : index
        %get3A_229 = tpu.vector_load %arg9[%get3A_227, %get3A_228] {strides = array<i32>} : memref<200x32xf32, #tpu.memory_space<vmem>>, vector<1x16xf32>,
        %get3A_230 = vector.shape_cast %get3A_229 : vector<1x16xf32> to vector<16xf32>
        %add3A_231 = arith.addf %add3A_219, %get3A_230 : vector<16xf32>
        %get3A_232 = arith.index_cast %scan3A_226 : i32 to index
        %get3A_233 = arith.constant 16 : index
        %get3A_234 = tpu.vector_load %arg9[%get3A_232, %get3A_233] {strides = array<i32>} : memref<200x32xf32, #tpu.memory_space<vmem>>, vector<1x16xf32>,
        %get3A_235 = vector.shape_cast %get3A_234 : vector<1x16xf32> to vector<16xf32>
        %add3A_236 = arith.addf %add3A_224, %get3A_235 : vector<16xf32>
        scf.yield %add3A_231, %add3A_236 : vector<16xf32>, vector<16xf32>
      }
      %scan3A_124 = arith.constant 200 : i32
      %swap3A_125 = arith.constant 31 : i32
      %swap3A_126 = arith.index_cast %swap3A_125 : i32 to index
      %swap3A_127 = arith.constant 0 : index
      %swap3A_128 = tpu.vector_load %arg10[%swap3A_126, %swap3A_127] {strides = array<i32>} : memref<32x32xf32, #tpu.memory_space<vmem>>, vector<1x16xf32>,
      %swap3A_129 = vector.shape_cast %swap3A_128 : vector<1x16xf32> to vector<16xf32>
      %swap3A_130 = vector.shape_cast %scan3A_123#0 : vector<16xf32> to vector<1x16xf32>
      tpu.vector_store %arg10[%swap3A_126, %swap3A_127], %swap3A_130 {strides = array<i32>} : memref<32x32xf32, #tpu.memory_space<vmem>>, vector<1x16xf32>,
      %swap3A_131 = arith.constant 31 : i32
      %swap3A_132 = arith.index_cast %swap3A_131 : i32 to index
      %swap3A_133 = arith.constant 16 : index
      %swap3A_134 = tpu.vector_load %arg10[%swap3A_132, %swap3A_133] {strides = array<i32>} : memref<32x32xf32, #tpu.memory_space<vmem>>, vector<1x16xf32>,
      %swap3A_135 = vector.shape_cast %swap3A_134 : vector<1x16xf32> to vector<16xf32>
      %swap3A_136 = vector.shape_cast %scan3A_123#1 : vector<16xf32> to vector<1x16xf32>
      tpu.vector_store %arg10[%swap3A_132, %swap3A_133], %swap3A_136 {strides = array<i32>} : memref<32x32xf32, #tpu.memory_space<vmem>>, vector<1x16xf32>,
      %mul3A_137 = arith.constant 32 : i32
      %mul3A_138 = arith.muli %scan3A_9, %mul3A_137 : i32
      %add3A_139 = arith.addi %mul3A_2, %mul3A_138 : i32
      "tpu.region"() ({
        %run_scoped3A = tpu.sem_alloc : memref<!tpu.dma_semaphore, #tpu.memory_space<semaphore_mem>>
        %dma_start3A_141 = arith.constant 0 : i32
        %dma_start3A_142 = tpu.memref_slice %arg5[%add3A_139, %dma_start3A_141] : memref<16384x32xf32, #tpu.memory_space<hbm>> -> memref<32x32xf32, #tpu.memory_space<hbm>>
        %dma_start3A_143 = arith.constant 0 : i32
        %dma_start3A_144 = tpu.memref_slice %arg5[%add3A_139, %dma_start3A_143] : memref<16384x32xf32, #tpu.memory_space<hbm>> -> memref<32x32xf32, #tpu.memory_space<hbm>>
        tpu.enqueue_dma source(%arg10 : memref<32x32xf32, #tpu.memory_space<vmem>>) target(%dma_start3A_144 : memref<32x32xf32, #tpu.memory_space<hbm>>) target_semaphore(%run_scoped3A : memref<!tpu.dma_semaphore, #tpu.memory_space<semaphore_mem>>)
        %dma_wait3A_145 = arith.constant 0 : i32
        %dma_wait3A_146 = tpu.memref_slice %arg5[%add3A_139, %dma_wait3A_145] : memref<16384x32xf32, #tpu.memory_space<hbm>> -> memref<32x32xf32, #tpu.memory_space<hbm>>
        %dma_wait3A_147 = arith.constant 0 : i32
        %dma_wait3A_148 = tpu.memref_slice %arg5[%add3A_139, %dma_wait3A_147] : memref<16384x32xf32, #tpu.memory_space<hbm>> -> memref<32x32xf32, #tpu.memory_space<hbm>>
        tpu.wait_dma2 semaphore(%run_scoped3A : memref<!tpu.dma_semaphore, #tpu.memory_space<semaphore_mem>>) src(%arg10 : memref<32x32xf32, #tpu.memory_space<vmem>>) dst(%dma_wait3A_148 : memref<32x32xf32, #tpu.memory_space<hbm>>)
        tpu.yield
      }) : () -> ()
      %scan3A_140 = arith.constant 0 : i32
      scf.yield %scan3A_140 : i32
    }
    %scan3A_8 = arith.constant 16 : i32
    return
  }
}

module attributes {stable_mosaic.version = 14 : i64} {
  func.func @body(%arg0: i32, %arg1: memref<512x200xi32, #tpu.memory_space<vmem>>, %arg2: memref<512x200xi32, #tpu.memory_space<vmem>>, %arg3: memref<512x128xi32, #tpu.memory_space<vmem>>, %arg4: memref<512x128xi32, #tpu.memory_space<vmem>>, %arg5: memref<512x128xi32, #tpu.memory_space<vmem>>, %arg6: memref<512x128xi32, #tpu.memory_space<vmem>>) attributes {dimension_semantics = [#tpu.dimension_semantics<arbitrary>], iteration_bounds = array<i64: 32>, scalar_prefetch = 0 : i64, scratch_operands = 0 : i64, tpu.core_type = #tpu.core_type<tc>, window_params = [{transform_indices = @transform_0, window_bounds = array<i64: 512, 200>}, {transform_indices = @transform_1, window_bounds = array<i64: 512, 200>}, {transform_indices = @transform_2, window_bounds = array<i64: 512, 128>}, {transform_indices = @transform_3, window_bounds = array<i64: 512, 128>}, {transform_indices = @transform_4, window_bounds = array<i64: 512, 128>}, {transform_indices = @transform_5, window_bounds = array<i64: 512, 128>}]} {
    %get3A = arith.constant 0 : index
    %get3A_0 = arith.constant 0 : index
    %get3A_1 = vector.load %arg1[%get3A, %get3A_0] : memref<512x200xi32, #tpu.memory_space<vmem>>, vector<512x200xi32>
    %get3A_2 = arith.constant 0 : index
    %get3A_3 = arith.constant 0 : index
    %get3A_4 = vector.load %arg2[%get3A_2, %get3A_3] : memref<512x200xi32, #tpu.memory_space<vmem>>, vector<512x200xi32>
    %eq3A = arith.constant 0 : i32
    %eq3A_5 = vector.broadcast %eq3A : i32 to vector<512x200xi32>
    %eq3A_6 = arith.cmpi eq, %get3A_1, %eq3A_5 : vector<512x200xi32>
    %jit3A = arith.constant 0 : i32
    %broadcast_in_dim3A = vector.broadcast %jit3A : i32 to vector<512x200xi32>
    %select_n3A = arith.select %eq3A_6, %broadcast_in_dim3A, %get3A_4 : vector<512x200xi1>, vector<512x200xi32>
    %slice3A = vector.extract_strided_slice %get3A_1 {offsets = [0, 0], sizes = [512, 128], strides = [1, 1]} : vector<512x200xi32> to vector<512x128xi32>
    %swap3A = arith.constant 0 : index
    %swap3A_7 = arith.constant 0 : index
    %swap3A_8 = vector.load %arg3[%swap3A, %swap3A_7] : memref<512x128xi32, #tpu.memory_space<vmem>>, vector<512x128xi32>
    tpu.vector_store %arg3[%swap3A, %swap3A_7], %slice3A {strides = array<i32>} : memref<512x128xi32, #tpu.memory_space<vmem>>, vector<512x128xi32>,
    %slice3A_9 = vector.extract_strided_slice %select_n3A {offsets = [0, 0], sizes = [512, 128], strides = [1, 1]} : vector<512x200xi32> to vector<512x128xi32>
    %swap3A_10 = arith.constant 0 : index
    %swap3A_11 = arith.constant 0 : index
    %swap3A_12 = vector.load %arg5[%swap3A_10, %swap3A_11] : memref<512x128xi32, #tpu.memory_space<vmem>>, vector<512x128xi32>
    tpu.vector_store %arg5[%swap3A_10, %swap3A_11], %slice3A_9 {strides = array<i32>} : memref<512x128xi32, #tpu.memory_space<vmem>>, vector<512x128xi32>,
    %broadcast_in_dim3A_13 = arith.constant 0 : i32
    %broadcast_in_dim3A_14 = vector.broadcast %broadcast_in_dim3A_13 : i32 to vector<512x56xi32>
    %slice3A_15 = vector.extract_strided_slice %get3A_1 {offsets = [0, 128], sizes = [512, 72], strides = [1, 1]} : vector<512x200xi32> to vector<512x72xi32>
    %concatenate3A = tpu.concatenate %slice3A_15, %broadcast_in_dim3A_14 in 1 : vector<512x72xi32>, vector<512x56xi32> -> vector<512x128xi32>
    %swap3A_16 = arith.constant 0 : index
    %swap3A_17 = arith.constant 0 : index
    %swap3A_18 = vector.load %arg4[%swap3A_16, %swap3A_17] : memref<512x128xi32, #tpu.memory_space<vmem>>, vector<512x128xi32>
    tpu.vector_store %arg4[%swap3A_16, %swap3A_17], %concatenate3A {strides = array<i32>} : memref<512x128xi32, #tpu.memory_space<vmem>>, vector<512x128xi32>,
    %slice3A_19 = vector.extract_strided_slice %select_n3A {offsets = [0, 128], sizes = [512, 72], strides = [1, 1]} : vector<512x200xi32> to vector<512x72xi32>
    %concatenate3A_20 = tpu.concatenate %slice3A_19, %broadcast_in_dim3A_14 in 1 : vector<512x72xi32>, vector<512x56xi32> -> vector<512x128xi32>
    %swap3A_21 = arith.constant 0 : index
    %swap3A_22 = arith.constant 0 : index
    %swap3A_23 = vector.load %arg6[%swap3A_21, %swap3A_22] : memref<512x128xi32, #tpu.memory_space<vmem>>, vector<512x128xi32>
    tpu.vector_store %arg6[%swap3A_21, %swap3A_22], %concatenate3A_20 {strides = array<i32>} : memref<512x128xi32, #tpu.memory_space<vmem>>, vector<512x128xi32>,
    return
  }
  func.func @transform_0(%arg0: i32) -> (i32, i32) {
    %c0_i32 = arith.constant 0 : i32
    %c0_i32_0 = arith.constant 0 : i32
    return %arg0, %c0_i32 : i32, i32
  }
  func.func @transform_1(%arg0: i32) -> (i32, i32) {
    %c0_i32 = arith.constant 0 : i32
    %c0_i32_0 = arith.constant 0 : i32
    return %arg0, %c0_i32 : i32, i32
  }
  func.func @transform_2(%arg0: i32) -> (i32, i32) {
    %c0_i32 = arith.constant 0 : i32
    %c0_i32_0 = arith.constant 0 : i32
    return %arg0, %c0_i32 : i32, i32
  }
  func.func @transform_3(%arg0: i32) -> (i32, i32) {
    %c0_i32 = arith.constant 0 : i32
    %c0_i32_0 = arith.constant 0 : i32
    return %arg0, %c0_i32 : i32, i32
  }
  func.func @transform_4(%arg0: i32) -> (i32, i32) {
    %c0_i32 = arith.constant 0 : i32
    %c0_i32_0 = arith.constant 0 : i32
    return %arg0, %c0_i32 : i32, i32
  }
  func.func @transform_5(%arg0: i32) -> (i32, i32) {
    %c0_i32 = arith.constant 0 : i32
    %c0_i32_0 = arith.constant 0 : i32
    return %arg0, %c0_i32 : i32, i32
  }
}

module attributes {stable_mosaic.version = 14 : i64} {
  func.func @body(%arg0: i32, %arg1: memref<2048x32xf32, #tpu.memory_space<vmem>>, %arg2: memref<2048x32xf32, #tpu.memory_space<vmem>>, %arg3: memref<2048x1xf32, #tpu.memory_space<vmem>>, %arg4: memref<32x64xf32, #tpu.memory_space<vmem>>, %arg5: memref<32x64xf32, #tpu.memory_space<vmem>>, %arg6: memref<1x64xf32, #tpu.memory_space<vmem>>, %arg7: memref<64x10xf32, #tpu.memory_space<vmem>>, %arg8: memref<1x10xf32, #tpu.memory_space<vmem>>, %arg9: memref<2048x10xf32, #tpu.memory_space<vmem>>) attributes {dimension_semantics = [#tpu.dimension_semantics<arbitrary>], iteration_bounds = array<i64: 8>, scalar_prefetch = 0 : i64, scratch_operands = 0 : i64, tpu.core_type = #tpu.core_type<tc>, window_params = [{transform_indices = @transform_0, window_bounds = array<i64: 2048, 32>}, {transform_indices = @transform_1, window_bounds = array<i64: 2048, 32>}, {transform_indices = @transform_2, window_bounds = array<i64: 2048, 1>}, {pipeline_mode = #tpu.pipeline_mode<synchronous>, transform_indices = @transform_3, window_bounds = array<i64: 32, 64>}, {pipeline_mode = #tpu.pipeline_mode<synchronous>, transform_indices = @transform_4, window_bounds = array<i64: 32, 64>}, {pipeline_mode = #tpu.pipeline_mode<synchronous>, transform_indices = @transform_5, window_bounds = array<i64: 1, 64>}, {pipeline_mode = #tpu.pipeline_mode<synchronous>, transform_indices = @transform_6, window_bounds = array<i64: 64, 10>}, {pipeline_mode = #tpu.pipeline_mode<synchronous>, transform_indices = @transform_7, window_bounds = array<i64: 1, 10>}, {transform_indices = @transform_8, window_bounds = array<i64: 2048, 10>}]} {
    %get3A = arith.constant 0 : index
    %get3A_0 = arith.constant 0 : index
    %get3A_1 = vector.load %arg3[%get3A, %get3A_0] : memref<2048x1xf32, #tpu.memory_space<vmem>>, vector<2048x1xf32>
    %div3A = arith.constant 1.000000e+00 : f32
    %div3A_2 = vector.broadcast %div3A : f32 to vector<2048x1xf32>
    %div3A_3 = arith.divf %div3A_2, %get3A_1 : vector<2048x1xf32>
    %get3A_4 = arith.constant 0 : index
    %get3A_5 = arith.constant 0 : index
    %get3A_6 = vector.load %arg1[%get3A_4, %get3A_5] : memref<2048x32xf32, #tpu.memory_space<vmem>>, vector<2048x32xf32>
    %get3A_7 = arith.constant 0 : index
    %get3A_8 = arith.constant 0 : index
    %get3A_9 = vector.load %arg4[%get3A_7, %get3A_8] : memref<32x64xf32, #tpu.memory_space<vmem>>, vector<32x64xf32>
    %dot_general3A = arith.constant dense<0.000000e+00> : vector<2048x64xf32>
    %dot_general3A_10 = tpu.matmul %get3A_6, %get3A_9, %dot_general3A {dimension_numbers = #tpu.dot_dimension_numbers<[1], [0], [0], [1], [0, 0, 1, 1], [], []>, transpose_lhs_hint = false} : vector<2048x32xf32>, vector<32x64xf32>, vector<2048x64xf32> -> vector<2048x64xf32>
    %get3A_11 = arith.constant 0 : index
    %get3A_12 = arith.constant 0 : index
    %get3A_13 = vector.load %arg2[%get3A_11, %get3A_12] : memref<2048x32xf32, #tpu.memory_space<vmem>>, vector<2048x32xf32>
    %get3A_14 = arith.constant 0 : index
    %get3A_15 = arith.constant 0 : index
    %get3A_16 = vector.load %arg5[%get3A_14, %get3A_15] : memref<32x64xf32, #tpu.memory_space<vmem>>, vector<32x64xf32>
    %dot_general3A_17 = arith.constant dense<0.000000e+00> : vector<2048x64xf32>
    %dot_general3A_18 = tpu.matmul %get3A_13, %get3A_16, %dot_general3A_17 {dimension_numbers = #tpu.dot_dimension_numbers<[1], [0], [0], [1], [0, 0, 1, 1], [], []>, transpose_lhs_hint = false} : vector<2048x32xf32>, vector<32x64xf32>, vector<2048x64xf32> -> vector<2048x64xf32>
    %add3A = arith.addf %dot_general3A_10, %dot_general3A_18 : vector<2048x64xf32>
    %mul3A = vector.broadcast %div3A_3 : vector<2048x1xf32> to vector<2048x64xf32>
    %mul3A_19 = arith.mulf %add3A, %mul3A : vector<2048x64xf32>
    %get3A_20 = arith.constant 0 : index
    %get3A_21 = arith.constant 0 : index
    %get3A_22 = vector.load %arg6[%get3A_20, %get3A_21] : memref<1x64xf32, #tpu.memory_space<vmem>>, vector<1x64xf32>
    %add3A_23 = vector.broadcast %get3A_22 : vector<1x64xf32> to vector<2048x64xf32>
    %add3A_24 = arith.addf %mul3A_19, %add3A_23 : vector<2048x64xf32>
    %max3A = arith.constant 0.000000e+00 : f32
    %max3A_25 = vector.broadcast %max3A : f32 to vector<2048x64xf32>
    %max3A_26 = arith.maximumf %add3A_24, %max3A_25 : vector<2048x64xf32>
    %get3A_27 = arith.constant 0 : index
    %get3A_28 = arith.constant 0 : index
    %get3A_29 = vector.load %arg7[%get3A_27, %get3A_28] : memref<64x10xf32, #tpu.memory_space<vmem>>, vector<64x10xf32>
    %dot_general3A_30 = arith.constant dense<0.000000e+00> : vector<2048x10xf32>
    %dot_general3A_31 = tpu.matmul %max3A_26, %get3A_29, %dot_general3A_30 {dimension_numbers = #tpu.dot_dimension_numbers<[1], [0], [0], [1], [0, 0, 1, 1], [], []>, transpose_lhs_hint = false} : vector<2048x64xf32>, vector<64x10xf32>, vector<2048x10xf32> -> vector<2048x10xf32>
    %get3A_32 = arith.constant 0 : index
    %get3A_33 = arith.constant 0 : index
    %get3A_34 = vector.load %arg8[%get3A_32, %get3A_33] : memref<1x10xf32, #tpu.memory_space<vmem>>, vector<1x10xf32>
    %add3A_35 = vector.broadcast %get3A_34 : vector<1x10xf32> to vector<2048x10xf32>
    %add3A_36 = arith.addf %dot_general3A_31, %add3A_35 : vector<2048x10xf32>
    %swap3A = arith.constant 0 : index
    %swap3A_37 = arith.constant 0 : index
    %swap3A_38 = vector.load %arg9[%swap3A, %swap3A_37] : memref<2048x10xf32, #tpu.memory_space<vmem>>, vector<2048x10xf32>
    tpu.vector_store %arg9[%swap3A, %swap3A_37], %add3A_36 {strides = array<i32>} : memref<2048x10xf32, #tpu.memory_space<vmem>>, vector<2048x10xf32>,
    return
  }
  func.func @transform_0(%arg0: i32) -> (i32, i32) {
    %c0_i32 = arith.constant 0 : i32
    %c0_i32_0 = arith.constant 0 : i32
    return %arg0, %c0_i32 : i32, i32
  }
  func.func @transform_1(%arg0: i32) -> (i32, i32) {
    %c0_i32 = arith.constant 0 : i32
    %c0_i32_0 = arith.constant 0 : i32
    return %arg0, %c0_i32 : i32, i32
  }
  func.func @transform_2(%arg0: i32) -> (i32, i32) {
    %c0_i32 = arith.constant 0 : i32
    %c0_i32_0 = arith.constant 0 : i32
    return %arg0, %c0_i32 : i32, i32
  }
  func.func @transform_3(%arg0: i32) -> (i32, i32) {
    %c0_i32 = arith.constant 0 : i32
    %c0_i32_0 = arith.constant 0 : i32
    %c0_i32_1 = arith.constant 0 : i32
    return %c0_i32, %c0_i32_0 : i32, i32
  }
  func.func @transform_4(%arg0: i32) -> (i32, i32) {
    %c0_i32 = arith.constant 0 : i32
    %c0_i32_0 = arith.constant 0 : i32
    %c0_i32_1 = arith.constant 0 : i32
    return %c0_i32, %c0_i32_0 : i32, i32
  }
  func.func @transform_5(%arg0: i32) -> (i32, i32) {
    %c0_i32 = arith.constant 0 : i32
    %c0_i32_0 = arith.constant 0 : i32
    %c0_i32_1 = arith.constant 0 : i32
    return %c0_i32, %c0_i32_0 : i32, i32
  }
  func.func @transform_6(%arg0: i32) -> (i32, i32) {
    %c0_i32 = arith.constant 0 : i32
    %c0_i32_0 = arith.constant 0 : i32
    %c0_i32_1 = arith.constant 0 : i32
    return %c0_i32, %c0_i32_0 : i32, i32
  }
  func.func @transform_7(%arg0: i32) -> (i32, i32) {
    %c0_i32 = arith.constant 0 : i32
    %c0_i32_0 = arith.constant 0 : i32
    %c0_i32_1 = arith.constant 0 : i32
    return %c0_i32, %c0_i32_0 : i32, i32
  }
  func.func @transform_8(%arg0: i32) -> (i32, i32) {
    %c0_i32 = arith.constant 0 : i32
    %c0_i32_0 = arith.constant 0 : i32
    return %arg0, %c0_i32 : i32, i32
  }
}

</mosaic_0001>

<sc_bundles>
// kernel: kernel.6.cloned.1.call-start
scs
__scs_entry_jumppad:
0x0: {  	(pc) =	sbr.rel $0x88, $3  }
0x1: {  	(tag) =	ssettag $0x0;
	lr =	simm.s32 $0x1  }
0x2: {  	[smem:$0x3F98] =	sst lr;
	_ =	strace $0xD0000000  }
0x3: {  	_ = 	snop  }
0x4: {  	_ = 	snop  }
0x5: {  	_ = 	snop  }
0x6: {  	_ = 	snop  }
0x7: {  	_ = 	snop  }
__scs_overlays_trampoline_lowered:
0x8: {  	[smem:$0x3FA7] =	sst s0  }
0x9: {  	[smem:$0x3FA8] =	sst s1  }
0xa: {  	[smem:$0x3FA9] =	sst s2  }
0xb: {  	[smem:$0x3FAA] =	sst s3  }
0xc: {  	[smem:$0x3FAB] =	sst s4  }
0xd: {  	[smem:$0x3FAC] =	sst s5  }
0xe: {  	[smem:$0x3FAD] =	sst s6  }
0xf: {  	[smem:$0x3FAE] =	sst s7  }
0x10: {  	[smem:$0x3FAF] =	sst s8  }
0x11: {  	[smem:$0x3FB0] =	sst s9;
	s0 =	simm.s32 @!p0 $0x0  }
0x12: {  	s1 =	sld [smem:$0x3F96];
	s0 =	simm.s32 @p0 $0x1  }
0x13: {  	[smem:$0x3FB1] =	sst s0;
	s0 =	simm.s32 @!p1 $0x0  }
0x14: {  	s2 =	sld [smem:$0x3F95];
	s0 =	simm.s32 @p1 $0x1  }
0x15: {  	[smem:$0x3FB2] =	sst s0;
	s0 =	simm.s32 @!p2 $0x0  }
0x16: {  	s3 =	sld [smem:$0x3FDB];
	s0 =	simm.s32 @p2 $0x1  }
0x17: {  	s4 =	simm.s32 $0x1BF5;
	[smem:$0x3FB4] =	sst s0  }
0x18: {  	s0 =	sld [smem:$0x3F97];
	_ =	swait.ge [sflag:s4], $0x0  }
0x19: {  	s7 =	sld [smem:$0x3F98]  }
0x1a: {  	s8 =	sadd.s32 $0xFFFFE003, lr  }
0x1b: {  	s9 =	sadd.s32 $0xFFFFFEF7, lr;
	s5 =	simm.s32 $0xFFFFFFFF;
	p2 =	slt.u32 s8, $0xFFFFF086  }
0x1c: {  	p1 =	slt.u32 s9, $0xF7A;
	s5 =	simm.s32 @!p2 $0x0  }
0x1d: {  	s5 =	simm.s32 @p1 $0x1;
	p0 =	seq.s32 s7, s2  }
0x1e: {  	s7 =	smul.u32 @!p0 $0xF7A, s2;
	p2 =	seq.s32 @!p0 s5, $0x0  }
0x1f: {  	s9 =	smul.u32 $0xF7A, s1;
	s8 =	simm.s32 @!p0 $0x1BF5;
	p2 =	por !p2, p0  }
0x20: {  	[sflag:s8] =	ssyncset.s32 @!p0 $0xFFFFF086;
	s6 =	sadd.s32 @!p0 s3, s7;
	s7 =	simm.s32 @!p0 $0x108  }
0x21: {  	s3 =	sadd.s32 s3, s9;
	s6 =	sadd.s32 @!p0 $0x88, s6;
	s7 =	simm.s32 @p2 $0x1082  }
0x22: {  	[simem:s7], [sflag:s8] =	dma.local @!p0 [hbm:s6], $0xF7A  }
0x23: {  	s9 =	sor.u32 $0xD0000000, s2;
	s6 =	simm.s32 $0x108;
	_ =	swait.ge @!p0 [sflag:s8], $0x0  }
0x24: {  	s3 =	sadd.s32 $0x88, s3;
	s6 =	simm.s32 @!p1 $0x1082;
	[sflag:s4] =	ssyncset.s32 $0xFFFFF086  }
0x25: {  	[simem:s6], [sflag:s4] =	dma.local [hbm:s3], $0xF7A  }
0x26: {  	[smem:$0x3F98] =	sst s1;
	(tag) =	ssettag s2;
	_ =	strace s9  }
0x27: {  	s1 =	sld [smem:$0x3FA8]  }
0x28: {  	s2 =	sld [smem:$0x3FA9]  }
0x29: {  	s4 =	sld [smem:$0x3FAB]  }
0x2a: {  	p0 =	seq.s32 s5, $0x0;
	s5 =	sld [smem:$0x3FAC]  }
0x2b: {  	s6 =	sld [smem:$0x3FAD]  }
0x2c: {  	s7 =	sld [smem:$0x3FAE]  }
0x2d: {  	s3 =	simm.s32 $0x108;
	s8 =	sld [smem:$0x3FAF]  }
0x2e: {  	s3 =	simm.s32 @!p0 $0x1082;
	s9 =	sld [smem:$0x3FB0]  }
0x2f: {  	lr =	sadd.s32 s0, s3;
	s0 =	sld [smem:$0x3FA7]  }
0x30: {  	s3 =	sld [smem:$0x3FAA]  }
0x31: {  	[smem:$0x3FB3] =	sst s10  }
0x32: {  	s10 =	sld [smem:$0x3FB1];
	_ =	sdelay $0x3  }
0x33: {  	p0 =	seq.s32 s10, $0x1;
	s10 =	sld [smem:$0x3FB3];
	_ =	sdelay $0x3  }
0x34: {  	[smem:$0x3FB3] =	sst s10  }
0x35: {  	s10 =	sld [smem:$0x3FB2];
	_ =	sdelay $0x3  }
0x36: {  	p1 =	seq.s32 s10, $0x1;
	s10 =	sld [smem:$0x3FB3];
	_ =	sdelay $0x3  }
0x37: {  	[smem:$0x3FB3] =	sst s10  }
0x38: {  	s10 =	sld [smem:$0x3FB4]  }
0x39: {  	_ = 	snop;
	(pc) =	sbr.ind lr, $3  }
0x3a: {  	_ = 	snop  }
0x3b: {  	_ = 	snop  }
0x3c: {  	p2 =	seq.s32 s10, $0x1;
	s10 =	sld [smem:$0x3FB3]  }
0x3d: {  	_ =	shalt  }
0x3e: {  	_ =	shalt  }
0x3f: {  	_ =	shalt  }
0x40: {  	_ =	shalt  }
0x41: {  	_ =	shalt  }
0x42: {  	_ =	shalt  }
0x43: {  	_ =	shalt  }
0x44: {  	_ =	shalt  }
0x45: {  	_ =	shalt  }
0x46: {  	_ =	shalt  }
0x47: {  	_ =	shalt  }
0x48: {  	_ =	shalt  }
0x49: {  	_ =	shalt  }
0x4a: {  	_ =	shalt  }
0x4b: {  	_ =	shalt  }
0x4c: {  	_ =	shalt  }
0x4d: {  	_ =	shalt  }
0x4e: {  	_ =	shalt  }
0x4f: {  	_ =	shalt  }
0x50: {  	_ =	shalt  }
0x51: {  	_ =	shalt  }
0x52: {  	_ =	shalt  }
0x53: {  	_ =	shalt  }
0x54: {  	_ =	shalt  }
0x55: {  	_ =	shalt  }
0x56: {  	_ =	shalt  }
0x57: {  	_ =	shalt  }
0x58: {  	_ =	shalt  }
0x59: {  	_ =	shalt  }
0x5a: {  	_ =	shalt  }
0x5b: {  	_ =	shalt  }
0x5c: {  	_ =	shalt  }
0x5d: {  	_ =	shalt  }
0x5e: {  	_ =	shalt  }
0x5f: {  	_ =	shalt  }
0x60: {  	_ =	shalt  }
0x61: {  	_ =	shalt  }
0x62: {  	_ =	shalt  }
0x63: {  	_ =	shalt  }
0x64: {  	_ =	shalt  }
0x65: {  	_ =	shalt  }
0x66: {  	_ =	shalt  }
0x67: {  	_ =	shalt  }
0x68: {  	_ =	shalt  }
0x69: {  	_ =	shalt  }
0x6a: {  	_ =	shalt  }
0x6b: {  	_ =	shalt  }
0x6c: {  	_ =	shalt  }
0x6d: {  	_ =	shalt  }
0x6e: {  	_ =	shalt  }
0x6f: {  	_ =	shalt  }
0x70: {  	_ =	shalt  }
0x71: {  	_ =	shalt  }
0x72: {  	_ =	shalt  }
0x73: {  	_ =	shalt  }
0x74: {  	_ =	shalt  }
0x75: {  	_ =	shalt  }
0x76: {  	_ =	shalt  }
0x77: {  	_ =	shalt  }
0x78: {  	_ =	shalt  }
0x79: {  	_ =	shalt  }
0x7a: {  	_ =	shalt  }
0x7b: {  	_ =	shalt  }
0x7c: {  	_ =	shalt  }
0x7d: {  	_ =	shalt  }
0x7e: {  	_ =	shalt  }
0x7f: {  	_ =	shalt  }
0x80: {  	_ =	shalt  }
0x81: {  	_ =	shalt  }
0x82: {  	_ =	shalt  }
0x83: {  	_ =	shalt  }
0x84: {  	_ =	shalt  }
0x85: {  	_ =	shalt  }
0x86: {  	_ =	shalt  }
0x87: {  	_ =	shalt  }
.Lfunc_end0:
.L_simem_size_0:
called_computation_lowered:
.L_overlay_start_0:
0x88: {  	s2 =	sld [smem:$0x3FD9]  }
0x89: {  	s3 =	sld [smem:$0x3FFE];
	_ =	sdelay $0x1  }
0x8a: {  	s1 =	srdreg.scid  }
0x8b: {  	s0 =	sand.u32 $0x1, s1  }
0x8c: {  	s17 =	sshll.u32 s0, $0xA;
	s2 =	sadd.s32 s3, s2  }
0x8d: {  	s2 =	sadd.s32 s2, s17  }
0x8e: {  	[smem:$0x3FBF] =	sst s2  }
0x8f: {  	_ = 	snop  }
0x90: {  	(tm) =	ssettm $0x1  }
0x91: {  	s18 =	sld [smem:$0x3FFB];
	_ =	sdelay $0x3  }
0x92: {  	_ =	strace s18  }
0x93: {  	s2 =	sld [smem:$0x3FFC];
	_ =	sdelay $0x3  }
0x94: {  	_ =	strace s2  }
0x95: {  	s2 =	sld [smem:$0x3FFD];
	_ =	sdelay $0x3  }
0x96: {  	_ =	strace s2  }
0x97: {  	_ =	strace $0x8FFFFFFF  }
0x98: {  	s19 =	sld [smem:$0x3FDB];
	_ =	sdelay $0x1  }
0x99: {  	s20 =	simm.s32 $_scs_section_size  }
0x9a: {  	s4 =	simm.s32 $_size__tile_overlayer_lowered;
	s5 =	simm.s32 $_tile_overlayer_lowered  }
0x9b: {  	s6 =	simm.s32 $0x1BFF;
	s21 =	sshll.u32 s5, $0x1;
	s3 =	sadd.s32 s20, s19  }
0x9c: {  	s22 =	simm.s32 $0x0;
	s4 =	sshll.u32 s4, $0x1;
	s5 =	sadd.s32 s21, s3  }
0x9d: {  	[timem:s22], [sflag:s6] =	dma.local [hbm:s5], s4  }
0x9e: {  	_ =	swait.ge [sflag:s6], s4  }
0x9f: {  	s4 =	ssub.s32 $0x0, s4;
	[sflag:s6] =	ssyncset.done $0x0  }
0xa0: {  	[sflag:s6] =	ssyncadd.s32 s4;
	_ =	sdelay $0x1  }
0xa1: {  	s23 =	simm.s32 $0x1B8B  }
0xa2: {  	_ =	swait.ge [sflag:s23], $0x1  }
0xa3: {  	[sflag:s23] =	ssyncset.done $0x0  }
0xa4: {  	[sflag:s23] =	ssyncadd.s32 $0xFFFFFFFF  }
0xa5: {  	s4 =	sld [smem:$0x0]  }
0xa6: {  	s5 =	sand.u32 $0xFFFFFFFE, s1  }
0xa7: {  	p0 =	sne.s32 s1, s5  }
0xa8: {  	s5 =	sshll.u32 @p0 s5, $0xE  }
0xa9: {  	s5 =	sadd.s32 @p0 $0x11B8D, s5;
	s6 =	sshll.u32 @p0 s4, $0x11  }
0xaa: {  	s5 =	sor.u32 @p0 s6, s5  }
0xab: {  	[sflag:s5] =	ssyncadd.remote.s32 @p0 $0x1;
	_ =	sdelay $0x1  }
0xac: {  	s5 =	simm.s32 @p0 $0x1B8D  }
0xad: {  	_ =	swait.eq @p0 [sflag:s5], $0x1  }
0xae: {  	[sflag:s5] =	ssyncadd.s32 @p0 $0xFFFFFFFF  }
0xaf: {  	s6 =	sshll.u32 @!p0 s1, $0xE  }
0xb0: {  	s6 =	sor.u32 @!p0 $0x4000, s6;
	s5 =	simm.s32 @!p0 $0x1B8D  }
0xb1: {  	s4 =	sshll.u32 @!p0 s4, $0x11;
	s6 =	sadd.s32 @!p0 $0x11B8D, s6;
	_ =	swait.eq @!p0 [sflag:s5], $0x1  }
0xb2: {  	s4 =	sor.u32 @!p0 s4, s6;
	[sflag:s5] =	ssyncadd.s32 @!p0 $0xFFFFFFFF  }
0xb3: {  	s25 =	simm.s32 $0x1B8E;
	s24 =	sld [smem:$0x3FFE];
	[sflag:s4] =	ssyncadd.remote.s32 @!p0 $0x1  }
0xb4: {  	s26 =	simm.s32 $execute0_lowered;
	[smem:$0x3FD2] =	sst s25  }
0xb5: {  	s5 =	sshll.u32 s26, $0x1;
	_ =	strace $0x80000049;
	[dreg:$0x1] =	wrdreg $0xFFFFFFFF  }
0xb6: {  	s28 =	simm.s32 $_size_execute0_lowered;
	s3 =	sadd.s32 s3, s5;
	[dreg:$0x0] =	wrdreg $0x0  }
0xb7: {  	s5 =	sshll.u32 s28, $0x1;
	[dreg:$0x2] =	wrdreg s3  }
0xb8: {  	[dreg:$0x3] =	wrdreg s5  }
0xb9: {  	[dreg:$0x4] =	wrdreg $0xC0  }
0xba: {  	_ =	task [dreg:s22], $0x5FFFF  }
0xbb: {  	[dreg:$0x1] =	wrdreg $0xFFFFFFFF  }
0xbc: {  	[dreg:$0x0] =	wrdreg $0x60  }
0xbd: {  	[dreg:$0x2] =	wrdreg s24  }
0xbe: {  	[dreg:$0x3] =	wrdreg $0x9  }
0xbf: {  	_ =	task.clear_ibuf [dreg:s22], $0x4FFFF;
	_ =	strace $0x90000049  }
0xc0: {  	s29 =	simm.s32 $0x9;
	_ =	strace $0x8000004B  }
0xc1: {  	_ =	swait.ge [sflag:s29], $0x1  }
0xc2: {  	[sflag:s29] =	ssyncadd.s32 $0xFFFFFFFF  }
0xc3: {  	_ =	strace $0x9000004B  }
0xc4: {  	_ =	sfence  }
0xc5: {  	s30 =	sld [smem:$0x0];
	_ =	sdelay $0x2  }
0xc6: {  	s31 =	sshll.u32 s1, $0xD;
	s1 =	sshrl.u32 s1, $0x2  }
0xc7: {  	s4 =	sand.u32 $0x4000, s31;
	s1 =	sadd.s32 s1, s30  }
0xc8: {  	s0 =	sor.u32 s4, s0;
	s1 =	sshll.u32 s1, $0x11  }
0xc9: {  	s0 =	sor.u32 s1, s0  }
0xca: {  	s0 =	sadd.s32 $0x8F2B, s0  }
0xcb: {  	[sflag:s0] =	ssyncadd.remote.s32 $0x1  }
0xcc: {  	_ =	sfence.sel $0xFFFF  }
0xcd: {  	[dreg:$0x0] =	wrdreg $0xFFFFFFFF;
	(pc) =	sbr.abs _section_cstart, $3  }
0xce: {  	[dreg:$0x1] =	wrdreg $0xFFFFFFFF  }
0xcf: {  	_ =	task.clear_ibuf [dreg:s22], $0x2FFFF;
	_ =	strace $0x9FFFFFFF  }
0xd0: {  	(tm) =	ssettm $0x7FFFFFFF  }
0xd1: {  	_ =	shalt  }
tec
execute0_lowered:
.L_overlay_start_1:
0x0: {  	(tag) =	ssettag $0x1  }
0x1: {  	s3 =	rddreg [dreg:$0x0]  }
0x2: {  	s0 =	rddreg [dreg:$0x1]  }
0x3: {  	s1 =	simm.s32 $0x0;
	s4 =	srdreg.scid;
	s10 =	simm.s32 $0x1000  }
0x4: {  	s11 =	simm.s32 $0x80;
	s12 =	simm.s32 $0x2000;
	s13 =	simm.s32 $0x48  }
0x5: {  	s14 =	simm.s32 $0x3000;
	s15 =	simm.s32 $0x3900;
	s16 =	simm.s32 $0x1080  }
0x6: {  	s17 =	simm.s32 $0x4900;
	s18 =	simm.s32 $0x1;
	s19 =	simm.s32 $0x2  }
0x7: {  	s20 =	simm.s32 $0x5200;
	s21 =	simm.s32 $0x0;
	[smem:$0x7FF] =	sst s1  }
0x8: {  	s2 =	sadd.s32 $0x1C00, s3;
	s7 =	sand.u32 $0x1, s4;
	s4 =	sadd.s32 $0x41C00, s3  }
0x9: {  	s5 =	sadd.s32 $0x181C00, s3;
	s6 =	sadd.s32 $0x91C00, s3;
	s8 =	ssub.s32 $0x2, s7  }
0xa: {  	s3 =	stileid.u32;
	_ =	strace $0x8000004A;
	s9 =	sshrl.u32 s8, $0x1  }
0xb: {  	s31 =	sshll.u32 s3, $0xA;
	s7 =	sshll.u32 s7, $0x9;
	s8 =	ssub.s32 s8, s9  }
0xc: {  	s7 =	sor.u32 s7, s31;
	s9 =	simm.s32 $0x3;
	s8 =	smax.u32 s8, $0x1  }
.LBB2_1:
0xd: {  	s22 =	simm.s32 $0x0  }
.LBB2_2:
0xe: {  	s23 =	sshll.u32 s22, $0x5  }
0xf: {  	s23 =	sadd.s32 s7, s23  }
0x10: {  	s25 =	sshll.u32 s23, $0x4  }
0x11: {  	s24 =	simm.s32 $0x0;
	s26 =	sadd.s32 s2, s25  }
0x12: {  	[tilespmem:s24], [sflag:$0x3] =	stream.linear.gather [hbm4b:s26+s24], $0x1000, $0x38;
	[tilespmem:$0x5600] =	vst v63  }
0x13: {  	_ =	swait.ge [sflag:s9], $0x1000  }
0x14: {  	[sflag:s9] =	ssyncset.done $0x0  }
0x15: {  	s25 =	sadd.s32 s4, s25;
	[sflag:s9] =	ssyncadd.s32 $0xFFFFF000  }
0x16: {  	[tilespmem:s10], [sflag:$0x3] =	stream.linear.gather [hbm4b:s25+s24], $0x1000, $0x38;
	[tilespmem:$0x5600] =	vst v63  }
0x17: {  	_ =	swait.ge [sflag:s9], $0x1000  }
0x18: {  	[sflag:s9] =	ssyncset.done $0x0  }
0x19: {  	[sflag:s9] =	ssyncadd.s32 $0xFFFFF000  }
0x1a: {  	[tilespmem:s12], [sflag:$0x1] =	stream.indirect.gather [hbm4b:s5+s11], $0x20, s24, s11, $0xb8;
	[tilespmem:$0x5600] =	vst v63  }
0x1b: {  	_ = 	snop  }
0x1c: {  	[tilespmem:s14], [sflag:$0x1] =	stream.indirect.gather [hbm4b:s5+s13], $0x20, s10, s13, $0xb8;
	[tilespmem:$0x5600] =	vst v63  }
0x1d: {  	_ = 	snop  }
0x1e: {  	[tilespmem:s15], [sflag:$0x2] =	stream.indirect.gather [hbm4b:s5+s11], $0x20, s11, s11, $0xb8;
	[tilespmem:$0x5600] =	vst v63  }
0x1f: {  	_ = 	snop  }
0x20: {  	[tilespmem:s17], [sflag:$0x2] =	stream.indirect.gather [hbm4b:s5+s13], $0x20, s16, s13, $0xb8;
	[tilespmem:$0x5600] =	vst v63  }
.LBB2_3:
0x21: {  	_ =	swait.ge [sflag:s18], $0x1000  }
0x22: {  	[sflag:s18] =	ssyncset.done $0x0  }
0x23: {  	[sflag:s18] =	ssyncadd.s32 $0xFFFFF000  }
0x24: {  	_ =	swait.ge [sflag:s18], $0x900  }
0x25: {  	[sflag:s18] =	ssyncset.done $0x0  }
0x26: {  	s26 =	simm.s32 $0x2080;
	[sflag:s18] =	ssyncadd.s32 $0xFFFFF700  }
0x27: {  	v0 =	vld [tilespmem:s26+$0xFFFFFF80]  }
0x28: {  	v1 =	vld [tilespmem:s26+$0xFFFFFF90]  }
0x29: {  	v2 =	vld [tilespmem:s26+$0xFFFFFFA0]  }
0x2a: {  	v3 =	vld [tilespmem:s26+$0xFFFFFFB0]  }
0x2b: {  	v4 =	vld [tilespmem:s26+$0xFFFFFFC0]  }
0x2c: {  	v6 =	vimm.f32 $0.0e+00;
	v5 =	vld [tilespmem:s26+$0xFFFFFFD0]  }
0x2d: {  	v7 =	vld [tilespmem:s26+$0xFFFFFFE0];
	v0 =	vadd.f32 v0, v6;
	v1 =	vadd.f32 v1, v6  }
0x2e: {  	v6 =	vld [tilespmem:s26+$0xFFFFFFF0]  }
0x2f: {  	v8 =	vld [tilespmem:s26+$0x0];
	v2 =	vadd.f32 v2, v0;
	v1 =	vadd.f32 v3, v1  }
0x30: {  	v9 =	vld [tilespmem:s26+$0x10]  }
0x31: {  	v0 =	vld [tilespmem:s26+$0x20];
	v2 =	vadd.f32 v4, v2;
	v4 =	vadd.f32 v5, v1  }
0x32: {  	v3 =	vld [tilespmem:s26+$0x30]  }
0x33: {  	v1 =	vld [tilespmem:s26+$0x40];
	v5 =	vadd.f32 v7, v2;
	v7 =	vadd.f32 v6, v4  }
0x34: {  	v4 =	vld [tilespmem:s26+$0x50]  }
0x35: {  	v2 =	vld [tilespmem:s26+$0x60];
	v6 =	vadd.f32 v8, v5;
	v7 =	vadd.f32 v9, v7  }
0x36: {  	s25 =	simm.s32 $0x0;
	v5 =	vld [tilespmem:s26+$0x70];
	s26 =	simm.s32 $0x2180  }
.LBB2_4:
0x37: {  	v8 =	vld [tilespmem:s26+$0xFFFFFF80];
	v0 =	vadd.f32 v0, v6;
	v3 =	vadd.f32 v3, v7  }
0x38: {  	s25 =	sadd.s32 $0x8, s25;
	v6 =	vld [tilespmem:s26+$0xFFFFFF90]  }
0x39: {  	p0 =	slt.u32 s25, $0xC0;
	v7 =	vld [tilespmem:s26+$0xFFFFFFA0];
	v0 =	vadd.f32 v1, v0;
	v1 =	vadd.f32 v4, v3  }
0x3a: {  	v3 =	vld [tilespmem:s26+$0xFFFFFFB0]  }
0x3b: {  	v4 =	vld [tilespmem:s26+$0xFFFFFFC0];
	v0 =	vadd.f32 v2, v0;
	v1 =	vadd.f32 v5, v1  }
0x3c: {  	v2 =	vld [tilespmem:s26+$0xFFFFFFD0]  }
0x3d: {  	v0 =	vadd.f32 v8, v0;
	v1 =	vadd.f32 v6, v1;
	v5 =	vld [tilespmem:s26+$0xFFFFFFE0]  }
0x3e: {  	v6 =	vld [tilespmem:s26+$0xFFFFFFF0]  }
0x3f: {  	v0 =	vadd.f32 v7, v0;
	v1 =	vadd.f32 v3, v1;
	v7 =	vld [tilespmem:s26+$0x0]  }
0x40: {  	v8 =	vld [tilespmem:s26+$0x10]  }
0x41: {  	v4 =	vadd.f32 v4, v0;
	v1 =	vadd.f32 v2, v1;
	v0 =	vld [tilespmem:s26+$0x20]  }
.Ltmp0:
0x42: {  	v3 =	vld [tilespmem:s26+$0x30];
	(pc) =	sbr.rel @p0 .LBB2_4-.Ltmp0, $4  }
0x43: {  	v2 =	vadd.f32 v5, v4;
	v5 =	vadd.f32 v6, v1;
	v1 =	vld [tilespmem:s26+$0x40]  }
0x44: {  	v4 =	vld [tilespmem:s26+$0x50]  }
0x45: {  	v6 =	vadd.f32 v7, v2;
	v7 =	vadd.f32 v8, v5;
	v2 =	vld [tilespmem:s26+$0x60]  }
0x46: {  	v5 =	vld [tilespmem:s26+$0x70];
	s26 =	sadd.s32 $0x100, s26  }
0x47: {  	v0 =	vadd.f32 v0, v6  }
0x48: {  	v3 =	vadd.f32 v3, v7  }
0x49: {  	v0 =	vadd.f32 v1, v0  }
0x4a: {  	v1 =	vadd.f32 v4, v3  }
0x4b: {  	s25 =	sshll.u32 s24, $0x8;
	v0 =	vadd.f32 v2, v0  }
0x4c: {  	s26 =	sshrl.u32 s25, $0x2;
	v1 =	vadd.f32 v5, v1  }
0x4d: {  	[tilespmem:s26+$0x5200] =	vst v0  }
0x4e: {  	s28 =	sadd.s32 $0x100, s25;
	[tilespmem:s26+$0x5210] =	vst v1  }
0x4f: {  	[tilespmem:s12], [sflag:$0x1] =	stream.indirect.gather [hbm4b:s5+s11], $0x20, s28, s11, $0xb8;
	[tilespmem:$0x5600] =	vst v63  }
0x50: {  	s28 =	sadd.s32 $0x1100, s25  }
0x51: {  	[tilespmem:s14], [sflag:$0x1] =	stream.indirect.gather [hbm4b:s5+s13], $0x20, s28, s13, $0xb8;
	[tilespmem:$0x5600] =	vst v63  }
0x52: {  	_ =	swait.ge [sflag:s19], $0x1000  }
0x53: {  	[sflag:s19] =	ssyncset.done $0x0  }
0x54: {  	[sflag:s19] =	ssyncadd.s32 $0xFFFFF000  }
0x55: {  	_ =	swait.ge [sflag:s19], $0x900  }
0x56: {  	[sflag:s19] =	ssyncset.done $0x0  }
0x57: {  	s29 =	simm.s32 $0x3980;
	[sflag:s19] =	ssyncadd.s32 $0xFFFFF700  }
0x58: {  	v0 =	vld [tilespmem:s29+$0xFFFFFF80]  }
0x59: {  	v1 =	vld [tilespmem:s29+$0xFFFFFF90]  }
0x5a: {  	v2 =	vld [tilespmem:s29+$0xFFFFFFA0]  }
0x5b: {  	v3 =	vld [tilespmem:s29+$0xFFFFFFB0]  }
0x5c: {  	v4 =	vld [tilespmem:s29+$0xFFFFFFC0]  }
0x5d: {  	v6 =	vimm.f32 $0.0e+00;
	v5 =	vld [tilespmem:s29+$0xFFFFFFD0]  }
0x5e: {  	v7 =	vld [tilespmem:s29+$0xFFFFFFE0];
	v0 =	vadd.f32 v0, v6;
	v1 =	vadd.f32 v1, v6  }
0x5f: {  	v6 =	vld [tilespmem:s29+$0xFFFFFFF0]  }
0x60: {  	v8 =	vld [tilespmem:s29+$0x0];
	v2 =	vadd.f32 v2, v0;
	v1 =	vadd.f32 v3, v1  }
0x61: {  	v9 =	vld [tilespmem:s29+$0x10]  }
0x62: {  	v0 =	vld [tilespmem:s29+$0x20];
	v2 =	vadd.f32 v4, v2;
	v4 =	vadd.f32 v5, v1  }
0x63: {  	v3 =	vld [tilespmem:s29+$0x30]  }
0x64: {  	v1 =	vld [tilespmem:s29+$0x40];
	v5 =	vadd.f32 v7, v2;
	v7 =	vadd.f32 v6, v4  }
0x65: {  	v4 =	vld [tilespmem:s29+$0x50]  }
0x66: {  	v2 =	vld [tilespmem:s29+$0x60];
	v6 =	vadd.f32 v8, v5;
	v7 =	vadd.f32 v9, v7  }
0x67: {  	s28 =	simm.s32 $0x0;
	v5 =	vld [tilespmem:s29+$0x70];
	s29 =	simm.s32 $0x3A80  }
.LBB2_6:
0x68: {  	v8 =	vld [tilespmem:s29+$0xFFFFFF80];
	v0 =	vadd.f32 v0, v6;
	v3 =	vadd.f32 v3, v7  }
0x69: {  	s28 =	sadd.s32 $0x8, s28;
	v6 =	vld [tilespmem:s29+$0xFFFFFF90]  }
0x6a: {  	p0 =	slt.u32 s28, $0xC0;
	v7 =	vld [tilespmem:s29+$0xFFFFFFA0];
	v0 =	vadd.f32 v1, v0;
	v1 =	vadd.f32 v4, v3  }
0x6b: {  	v3 =	vld [tilespmem:s29+$0xFFFFFFB0]  }
0x6c: {  	v4 =	vld [tilespmem:s29+$0xFFFFFFC0];
	v0 =	vadd.f32 v2, v0;
	v1 =	vadd.f32 v5, v1  }
0x6d: {  	v2 =	vld [tilespmem:s29+$0xFFFFFFD0]  }
0x6e: {  	v0 =	vadd.f32 v8, v0;
	v1 =	vadd.f32 v6, v1;
	v5 =	vld [tilespmem:s29+$0xFFFFFFE0]  }
0x6f: {  	v6 =	vld [tilespmem:s29+$0xFFFFFFF0]  }
0x70: {  	v0 =	vadd.f32 v7, v0;
	v1 =	vadd.f32 v3, v1;
	v7 =	vld [tilespmem:s29+$0x0]  }
0x71: {  	v8 =	vld [tilespmem:s29+$0x10]  }
0x72: {  	v4 =	vadd.f32 v4, v0;
	v1 =	vadd.f32 v2, v1;
	v0 =	vld [tilespmem:s29+$0x20]  }
.Ltmp1:
0x73: {  	v3 =	vld [tilespmem:s29+$0x30];
	(pc) =	sbr.rel @p0 .LBB2_6-.Ltmp1, $4  }
0x74: {  	v2 =	vadd.f32 v5, v4;
	v5 =	vadd.f32 v6, v1;
	v1 =	vld [tilespmem:s29+$0x40]  }
0x75: {  	v4 =	vld [tilespmem:s29+$0x50]  }
0x76: {  	v6 =	vadd.f32 v7, v2;
	v7 =	vadd.f32 v8, v5;
	v2 =	vld [tilespmem:s29+$0x60]  }
0x77: {  	v5 =	vld [tilespmem:s29+$0x70];
	s29 =	sadd.s32 $0x100, s29  }
0x78: {  	v0 =	vadd.f32 v0, v6  }
0x79: {  	v3 =	vadd.f32 v3, v7  }
0x7a: {  	v0 =	vadd.f32 v1, v0  }
0x7b: {  	v63 =	vadd.f32 v4, v3  }
0x7c: {  	s24 =	sadd.s32 $0x1, s24;
	v0 =	vadd.f32 v2, v0  }
0x7d: {  	p0 =	sne.s32 s24, $0xF;
	v1 =	vadd.f32 v5, v63  }
.Ltmp2:
0x7e: {  	[tilespmem:s26+$0x5220] =	vst v0;
	(pc) =	sbr.rel @p0 .LBB2_3-.Ltmp2, $4  }
0x7f: {  	s30 =	sadd.s32 $0x180, s25;
	[tilespmem:s26+$0x5230] =	vst v1  }
0x80: {  	[tilespmem:s15], [sflag:$0x2] =	stream.indirect.gather [hbm4b:s5+s11], $0x20, s30, s11, $0xb8;
	[tilespmem:$0x5600] =	vst v63  }
0x81: {  	s31 =	sadd.s32 $0x1180, s25  }
0x82: {  	[tilespmem:s17], [sflag:$0x2] =	stream.indirect.gather [hbm4b:s5+s13], $0x20, s31, s13, $0xb8;
	[tilespmem:$0x5600] =	vst v63  }
0x83: {  	_ =	swait.ge [sflag:s18], $0x1000  }
0x84: {  	[sflag:s18] =	ssyncset.done $0x0  }
0x85: {  	[sflag:s18] =	ssyncadd.s32 $0xFFFFF000  }
0x86: {  	_ =	swait.ge [sflag:s18], $0x900  }
0x87: {  	[sflag:s18] =	ssyncset.done $0x0  }
0x88: {  	s25 =	simm.s32 $0x2080;
	[sflag:s18] =	ssyncadd.s32 $0xFFFFF700  }
0x89: {  	v0 =	vld [tilespmem:s25+$0xFFFFFF80]  }
0x8a: {  	v1 =	vld [tilespmem:s25+$0xFFFFFF90]  }
0x8b: {  	v2 =	vld [tilespmem:s25+$0xFFFFFFA0]  }
0x8c: {  	v3 =	vld [tilespmem:s25+$0xFFFFFFB0]  }
0x8d: {  	v4 =	vld [tilespmem:s25+$0xFFFFFFC0]  }
0x8e: {  	v6 =	vimm.f32 $0.0e+00;
	v5 =	vld [tilespmem:s25+$0xFFFFFFD0]  }
0x8f: {  	v7 =	vld [tilespmem:s25+$0xFFFFFFE0];
	v0 =	vadd.f32 v0, v6;
	v1 =	vadd.f32 v1, v6  }
0x90: {  	v6 =	vld [tilespmem:s25+$0xFFFFFFF0]  }
0x91: {  	v8 =	vld [tilespmem:s25+$0x0];
	v2 =	vadd.f32 v2, v0;
	v1 =	vadd.f32 v3, v1  }
0x92: {  	v9 =	vld [tilespmem:s25+$0x10]  }
0x93: {  	v0 =	vld [tilespmem:s25+$0x20];
	v2 =	vadd.f32 v4, v2;
	v4 =	vadd.f32 v5, v1  }
0x94: {  	v3 =	vld [tilespmem:s25+$0x30]  }
0x95: {  	v1 =	vld [tilespmem:s25+$0x40];
	v5 =	vadd.f32 v7, v2;
	v7 =	vadd.f32 v6, v4  }
0x96: {  	v4 =	vld [tilespmem:s25+$0x50]  }
0x97: {  	v2 =	vld [tilespmem:s25+$0x60];
	v6 =	vadd.f32 v8, v5;
	v7 =	vadd.f32 v9, v7  }
0x98: {  	s24 =	simm.s32 $0x0;
	v5 =	vld [tilespmem:s25+$0x70];
	s25 =	simm.s32 $0x2180  }
.LBB2_9:
0x99: {  	v8 =	vld [tilespmem:s25+$0xFFFFFF80];
	v0 =	vadd.f32 v0, v6;
	v3 =	vadd.f32 v3, v7  }
0x9a: {  	s24 =	sadd.s32 $0x8, s24;
	v6 =	vld [tilespmem:s25+$0xFFFFFF90]  }
0x9b: {  	p0 =	slt.u32 s24, $0xC0;
	v7 =	vld [tilespmem:s25+$0xFFFFFFA0];
	v0 =	vadd.f32 v1, v0;
	v1 =	vadd.f32 v4, v3  }
0x9c: {  	v3 =	vld [tilespmem:s25+$0xFFFFFFB0]  }
0x9d: {  	v4 =	vld [tilespmem:s25+$0xFFFFFFC0];
	v0 =	vadd.f32 v2, v0;
	v1 =	vadd.f32 v5, v1  }
0x9e: {  	v2 =	vld [tilespmem:s25+$0xFFFFFFD0]  }
0x9f: {  	v0 =	vadd.f32 v8, v0;
	v1 =	vadd.f32 v6, v1;
	v5 =	vld [tilespmem:s25+$0xFFFFFFE0]  }
0xa0: {  	v6 =	vld [tilespmem:s25+$0xFFFFFFF0]  }
0xa1: {  	v0 =	vadd.f32 v7, v0;
	v1 =	vadd.f32 v3, v1;
	v7 =	vld [tilespmem:s25+$0x0]  }
0xa2: {  	v8 =	vld [tilespmem:s25+$0x10]  }
0xa3: {  	v4 =	vadd.f32 v4, v0;
	v1 =	vadd.f32 v2, v1;
	v0 =	vld [tilespmem:s25+$0x20]  }
.Ltmp3:
0xa4: {  	v3 =	vld [tilespmem:s25+$0x30];
	(pc) =	sbr.rel @p0 .LBB2_9-.Ltmp3, $4  }
0xa5: {  	v2 =	vadd.f32 v5, v4;
	v5 =	vadd.f32 v6, v1;
	v1 =	vld [tilespmem:s25+$0x40]  }
0xa6: {  	v4 =	vld [tilespmem:s25+$0x50]  }
0xa7: {  	v6 =	vadd.f32 v7, v2;
	v7 =	vadd.f32 v8, v5;
	v2 =	vld [tilespmem:s25+$0x60]  }
0xa8: {  	v5 =	vld [tilespmem:s25+$0x70];
	s25 =	sadd.s32 $0x100, s25  }
0xa9: {  	v0 =	vadd.f32 v0, v6  }
0xaa: {  	v3 =	vadd.f32 v3, v7  }
0xab: {  	v0 =	vadd.f32 v1, v0  }
0xac: {  	v1 =	vadd.f32 v4, v3  }
0xad: {  	v0 =	vadd.f32 v2, v0  }
0xae: {  	v1 =	vadd.f32 v5, v1  }
0xaf: {  	[tilespmem:$0x55C0] =	vst v0  }
0xb0: {  	[tilespmem:$0x55D0] =	vst v1  }
0xb1: {  	_ =	swait.ge [sflag:s19], $0x1000  }
0xb2: {  	[sflag:s19] =	ssyncset.done $0x0  }
0xb3: {  	[sflag:s19] =	ssyncadd.s32 $0xFFFFF000  }
0xb4: {  	_ =	swait.ge [sflag:s19], $0x900  }
0xb5: {  	[sflag:s19] =	ssyncset.done $0x0  }
0xb6: {  	s25 =	simm.s32 $0x3980;
	[sflag:s19] =	ssyncadd.s32 $0xFFFFF700  }
0xb7: {  	v0 =	vld [tilespmem:s25+$0xFFFFFF80]  }
0xb8: {  	v1 =	vld [tilespmem:s25+$0xFFFFFF90]  }
0xb9: {  	v2 =	vld [tilespmem:s25+$0xFFFFFFA0]  }
0xba: {  	v3 =	vld [tilespmem:s25+$0xFFFFFFB0]  }
0xbb: {  	v4 =	vld [tilespmem:s25+$0xFFFFFFC0]  }
0xbc: {  	v6 =	vimm.f32 $0.0e+00;
	v5 =	vld [tilespmem:s25+$0xFFFFFFD0]  }
0xbd: {  	v7 =	vld [tilespmem:s25+$0xFFFFFFE0];
	v0 =	vadd.f32 v0, v6;
	v1 =	vadd.f32 v1, v6  }
0xbe: {  	v6 =	vld [tilespmem:s25+$0xFFFFFFF0]  }
0xbf: {  	v8 =	vld [tilespmem:s25+$0x0];
	v2 =	vadd.f32 v2, v0;
	v1 =	vadd.f32 v3, v1  }
0xc0: {  	v9 =	vld [tilespmem:s25+$0x10]  }
0xc1: {  	v0 =	vld [tilespmem:s25+$0x20];
	v2 =	vadd.f32 v4, v2;
	v4 =	vadd.f32 v5, v1  }
0xc2: {  	v3 =	vld [tilespmem:s25+$0x30]  }
0xc3: {  	v1 =	vld [tilespmem:s25+$0x40];
	v5 =	vadd.f32 v7, v2;
	v7 =	vadd.f32 v6, v4  }
0xc4: {  	v4 =	vld [tilespmem:s25+$0x50]  }
0xc5: {  	v2 =	vld [tilespmem:s25+$0x60];
	v6 =	vadd.f32 v8, v5;
	v7 =	vadd.f32 v9, v7  }
0xc6: {  	s24 =	simm.s32 $0x0;
	v5 =	vld [tilespmem:s25+$0x70];
	s25 =	simm.s32 $0x3A80  }
.LBB2_11:
0xc7: {  	v8 =	vld [tilespmem:s25+$0xFFFFFF80];
	v0 =	vadd.f32 v0, v6;
	v3 =	vadd.f32 v3, v7  }
0xc8: {  	s24 =	sadd.s32 $0x8, s24;
	v6 =	vld [tilespmem:s25+$0xFFFFFF90]  }
0xc9: {  	p0 =	slt.u32 s24, $0xC0;
	v7 =	vld [tilespmem:s25+$0xFFFFFFA0];
	v0 =	vadd.f32 v1, v0;
	v1 =	vadd.f32 v4, v3  }
0xca: {  	v3 =	vld [tilespmem:s25+$0xFFFFFFB0]  }
0xcb: {  	v4 =	vld [tilespmem:s25+$0xFFFFFFC0];
	v0 =	vadd.f32 v2, v0;
	v1 =	vadd.f32 v5, v1  }
0xcc: {  	v2 =	vld [tilespmem:s25+$0xFFFFFFD0]  }
0xcd: {  	v0 =	vadd.f32 v8, v0;
	v1 =	vadd.f32 v6, v1;
	v5 =	vld [tilespmem:s25+$0xFFFFFFE0]  }
0xce: {  	v6 =	vld [tilespmem:s25+$0xFFFFFFF0]  }
0xcf: {  	v0 =	vadd.f32 v7, v0;
	v1 =	vadd.f32 v3, v1;
	v7 =	vld [tilespmem:s25+$0x0]  }
0xd0: {  	v8 =	vld [tilespmem:s25+$0x10]  }
0xd1: {  	v4 =	vadd.f32 v4, v0;
	v1 =	vadd.f32 v2, v1;
	v0 =	vld [tilespmem:s25+$0x20]  }
.Ltmp4:
0xd2: {  	v3 =	vld [tilespmem:s25+$0x30];
	(pc) =	sbr.rel @p0 .LBB2_11-.Ltmp4, $4  }
0xd3: {  	v2 =	vadd.f32 v5, v4;
	v5 =	vadd.f32 v6, v1;
	v1 =	vld [tilespmem:s25+$0x40]  }
0xd4: {  	v4 =	vld [tilespmem:s25+$0x50]  }
0xd5: {  	v6 =	vadd.f32 v7, v2;
	v7 =	vadd.f32 v8, v5;
	v2 =	vld [tilespmem:s25+$0x60]  }
0xd6: {  	v5 =	vld [tilespmem:s25+$0x70];
	s25 =	sadd.s32 $0x100, s25  }
0xd7: {  	v0 =	vadd.f32 v0, v6  }
0xd8: {  	v3 =	vadd.f32 v3, v7  }
0xd9: {  	v0 =	vadd.f32 v1, v0  }
0xda: {  	v63 =	vadd.f32 v4, v3  }
0xdb: {  	v0 =	vadd.f32 v2, v0  }
0xdc: {  	s22 =	sadd.s32 $0x1, s22;
	v1 =	vadd.f32 v5, v63  }
0xdd: {  	s23 =	sshll.u32 s23, $0x2;
	p0 =	sne.s32 s22, $0x10;
	[tilespmem:$0x55E0] =	vst v0  }
.Ltmp5:
0xde: {  	s23 =	sadd.s32 s6, s23;
	[tilespmem:$0x55F0] =	vst v1;
	(pc) =	sbr.rel @p0 .LBB2_2-.Ltmp5, $4  }
0xdf: {  	[hbm4b:s23+s1] =	stream.linear.scatter [tilespmem:s20], [sflag:$0x3], $0x400, $0x38;
	[tilespmem:$0x5600] =	vst v63  }
0xe0: {  	_ =	swait.ge [sflag:s9], $0x400  }
0xe1: {  	[sflag:s9] =	ssyncset.done $0x0  }
0xe2: {  	[sflag:s9] =	ssyncadd.s32 $0xFFFFFC00  }
0xe3: {  	s21 =	sadd.s32 $0x1, s21  }
0xe4: {  	p0 =	sne.s32 s21, s8  }
.Ltmp6:
0xe5: {  	_ = 	snop;
	(pc) =	sbr.rel @p0 .LBB2_1-.Ltmp6, $1  }
0xe6: {  	_ =	sdelay $0x3  }
0xe7: {  	_ =	sfence.sel $0x180000  }
0xe8: {  	[bflag:$0x0] =	sbarrier.arrive $0xFFFF  }
0xe9: {  	p0 =	sne.s32 s3, $0x0;
	_ =	strace $0x9000004A  }
0xea: {  	s0 =	sadd.s32 @!p0 $0x100000, s0;
	[bflag:$0x2] =	sbarrier.arrive $0xFFFF  }
0xeb: {  	[sflag:s0] =	ssyncadd.tile.s32 @!p0 $0x1;
	_ =	shalt  }
.Lfunc_end2:
_tile_overlayer_lowered:
.L_overlay_start_2:
0xec: {  	(tag) =	ssettag $0x2  }
0xed: {  	s0 =	rddreg [dreg:$0x0];
	s2 =	stileid.u32  }
0xee: {  	s1 =	rddreg [dreg:$0x1];
	p0 =	sne.s32 s2, $0x0  }
0xef: {  	s3 =	rddreg [dreg:$0x2];
	[bflag:$0x3] =	sbarrier.arrive $0xFFFF;
	s2 =	simm.s32 @!p0 $0x1C03  }
0xf0: {  	[timem:s3], [sflag:s2] =	dma.local @!p0 [hbm:s0], s1  }
0xf1: {  	s0 =	simm.s32 @!p0 $0x3  }
0xf2: {  	_ =	swait.ge @!p0 [sflag:s0], s1  }
0xf3: {  	s1 =	ssub.s32 @!p0 $0x0, s1;
	[sflag:s0] =	ssyncset.done @!p0 $0x0  }
0xf4: {  	[sflag:s0] =	ssyncadd.s32 @!p0 s1  }
0xf5: {  	[bflag:$0x3] =	sbarrier.arrive $0xFFFF  }
0xf6: {  	_ =	shalt  }

// kernel: kernel.9.cloned.1.call-start
scs
__scs_entry_jumppad:
0x0: {  	(pc) =	sbr.rel $0x88, $3  }
0x1: {  	(tag) =	ssettag $0x0;
	lr =	simm.s32 $0x1  }
0x2: {  	[smem:$0x3F98] =	sst lr;
	_ =	strace $0xD0000000  }
0x3: {  	_ = 	snop  }
0x4: {  	_ = 	snop  }
0x5: {  	_ = 	snop  }
0x6: {  	_ = 	snop  }
0x7: {  	_ = 	snop  }
__scs_overlays_trampoline_lowered:
0x8: {  	[smem:$0x3FA7] =	sst s0  }
0x9: {  	[smem:$0x3FA8] =	sst s1  }
0xa: {  	[smem:$0x3FA9] =	sst s2  }
0xb: {  	[smem:$0x3FAA] =	sst s3  }
0xc: {  	[smem:$0x3FAB] =	sst s4  }
0xd: {  	[smem:$0x3FAC] =	sst s5  }
0xe: {  	[smem:$0x3FAD] =	sst s6  }
0xf: {  	[smem:$0x3FAE] =	sst s7  }
0x10: {  	[smem:$0x3FAF] =	sst s8  }
0x11: {  	[smem:$0x3FB0] =	sst s9;
	s0 =	simm.s32 @!p0 $0x0  }
0x12: {  	s1 =	sld [smem:$0x3F96];
	s0 =	simm.s32 @p0 $0x1  }
0x13: {  	[smem:$0x3FB1] =	sst s0;
	s0 =	simm.s32 @!p1 $0x0  }
0x14: {  	s2 =	sld [smem:$0x3F95];
	s0 =	simm.s32 @p1 $0x1  }
0x15: {  	[smem:$0x3FB2] =	sst s0;
	s0 =	simm.s32 @!p2 $0x0  }
0x16: {  	s3 =	sld [smem:$0x3FDB];
	s0 =	simm.s32 @p2 $0x1  }
0x17: {  	s4 =	simm.s32 $0x1BF5;
	[smem:$0x3FB4] =	sst s0  }
0x18: {  	s0 =	sld [smem:$0x3F97];
	_ =	swait.ge [sflag:s4], $0x0  }
0x19: {  	s7 =	sld [smem:$0x3F98]  }
0x1a: {  	s8 =	sadd.s32 $0xFFFFE003, lr  }
0x1b: {  	s9 =	sadd.s32 $0xFFFFFEF7, lr;
	s5 =	simm.s32 $0xFFFFFFFF;
	p2 =	slt.u32 s8, $0xFFFFF086  }
0x1c: {  	p1 =	slt.u32 s9, $0xF7A;
	s5 =	simm.s32 @!p2 $0x0  }
0x1d: {  	s5 =	simm.s32 @p1 $0x1;
	p0 =	seq.s32 s7, s2  }
0x1e: {  	s7 =	smul.u32 @!p0 $0xF7A, s2;
	p2 =	seq.s32 @!p0 s5, $0x0  }
0x1f: {  	s9 =	smul.u32 $0xF7A, s1;
	s8 =	simm.s32 @!p0 $0x1BF5;
	p2 =	por !p2, p0  }
0x20: {  	[sflag:s8] =	ssyncset.s32 @!p0 $0xFFFFF086;
	s6 =	sadd.s32 @!p0 s3, s7;
	s7 =	simm.s32 @!p0 $0x108  }
0x21: {  	s3 =	sadd.s32 s3, s9;
	s6 =	sadd.s32 @!p0 $0x88, s6;
	s7 =	simm.s32 @p2 $0x1082  }
0x22: {  	[simem:s7], [sflag:s8] =	dma.local @!p0 [hbm:s6], $0xF7A  }
0x23: {  	s9 =	sor.u32 $0xD0000000, s2;
	s6 =	simm.s32 $0x108;
	_ =	swait.ge @!p0 [sflag:s8], $0x0  }
0x24: {  	s3 =	sadd.s32 $0x88, s3;
	s6 =	simm.s32 @!p1 $0x1082;
	[sflag:s4] =	ssyncset.s32 $0xFFFFF086  }
0x25: {  	[simem:s6], [sflag:s4] =	dma.local [hbm:s3], $0xF7A  }
0x26: {  	[smem:$0x3F98] =	sst s1;
	(tag) =	ssettag s2;
	_ =	strace s9  }
0x27: {  	s1 =	sld [smem:$0x3FA8]  }
0x28: {  	s2 =	sld [smem:$0x3FA9]  }
0x29: {  	s4 =	sld [smem:$0x3FAB]  }
0x2a: {  	p0 =	seq.s32 s5, $0x0;
	s5 =	sld [smem:$0x3FAC]  }
0x2b: {  	s6 =	sld [smem:$0x3FAD]  }
0x2c: {  	s7 =	sld [smem:$0x3FAE]  }
0x2d: {  	s3 =	simm.s32 $0x108;
	s8 =	sld [smem:$0x3FAF]  }
0x2e: {  	s3 =	simm.s32 @!p0 $0x1082;
	s9 =	sld [smem:$0x3FB0]  }
0x2f: {  	lr =	sadd.s32 s0, s3;
	s0 =	sld [smem:$0x3FA7]  }
0x30: {  	s3 =	sld [smem:$0x3FAA]  }
0x31: {  	[smem:$0x3FB3] =	sst s10  }
0x32: {  	s10 =	sld [smem:$0x3FB1];
	_ =	sdelay $0x3  }
0x33: {  	p0 =	seq.s32 s10, $0x1;
	s10 =	sld [smem:$0x3FB3];
	_ =	sdelay $0x3  }
0x34: {  	[smem:$0x3FB3] =	sst s10  }
0x35: {  	s10 =	sld [smem:$0x3FB2];
	_ =	sdelay $0x3  }
0x36: {  	p1 =	seq.s32 s10, $0x1;
	s10 =	sld [smem:$0x3FB3];
	_ =	sdelay $0x3  }
0x37: {  	[smem:$0x3FB3] =	sst s10  }
0x38: {  	s10 =	sld [smem:$0x3FB4]  }
0x39: {  	_ = 	snop;
	(pc) =	sbr.ind lr, $3  }
0x3a: {  	_ = 	snop  }
0x3b: {  	_ = 	snop  }
0x3c: {  	p2 =	seq.s32 s10, $0x1;
	s10 =	sld [smem:$0x3FB3]  }
0x3d: {  	_ =	shalt  }
0x3e: {  	_ =	shalt  }
0x3f: {  	_ =	shalt  }
0x40: {  	_ =	shalt  }
0x41: {  	_ =	shalt  }
0x42: {  	_ =	shalt  }
0x43: {  	_ =	shalt  }
0x44: {  	_ =	shalt  }
0x45: {  	_ =	shalt  }
0x46: {  	_ =	shalt  }
0x47: {  	_ =	shalt  }
0x48: {  	_ =	shalt  }
0x49: {  	_ =	shalt  }
0x4a: {  	_ =	shalt  }
0x4b: {  	_ =	shalt  }
0x4c: {  	_ =	shalt  }
0x4d: {  	_ =	shalt  }
0x4e: {  	_ =	shalt  }
0x4f: {  	_ =	shalt  }
0x50: {  	_ =	shalt  }
0x51: {  	_ =	shalt  }
0x52: {  	_ =	shalt  }
0x53: {  	_ =	shalt  }
0x54: {  	_ =	shalt  }
0x55: {  	_ =	shalt  }
0x56: {  	_ =	shalt  }
0x57: {  	_ =	shalt  }
0x58: {  	_ =	shalt  }
0x59: {  	_ =	shalt  }
0x5a: {  	_ =	shalt  }
0x5b: {  	_ =	shalt  }
0x5c: {  	_ =	shalt  }
0x5d: {  	_ =	shalt  }
0x5e: {  	_ =	shalt  }
0x5f: {  	_ =	shalt  }
0x60: {  	_ =	shalt  }
0x61: {  	_ =	shalt  }
0x62: {  	_ =	shalt  }
0x63: {  	_ =	shalt  }
0x64: {  	_ =	shalt  }
0x65: {  	_ =	shalt  }
0x66: {  	_ =	shalt  }
0x67: {  	_ =	shalt  }
0x68: {  	_ =	shalt  }
0x69: {  	_ =	shalt  }
0x6a: {  	_ =	shalt  }
0x6b: {  	_ =	shalt  }
0x6c: {  	_ =	shalt  }
0x6d: {  	_ =	shalt  }
0x6e: {  	_ =	shalt  }
0x6f: {  	_ =	shalt  }
0x70: {  	_ =	shalt  }
0x71: {  	_ =	shalt  }
0x72: {  	_ =	shalt  }
0x73: {  	_ =	shalt  }
0x74: {  	_ =	shalt  }
0x75: {  	_ =	shalt  }
0x76: {  	_ =	shalt  }
0x77: {  	_ =	shalt  }
0x78: {  	_ =	shalt  }
0x79: {  	_ =	shalt  }
0x7a: {  	_ =	shalt  }
0x7b: {  	_ =	shalt  }
0x7c: {  	_ =	shalt  }
0x7d: {  	_ =	shalt  }
0x7e: {  	_ =	shalt  }
0x7f: {  	_ =	shalt  }
0x80: {  	_ =	shalt  }
0x81: {  	_ =	shalt  }
0x82: {  	_ =	shalt  }
0x83: {  	_ =	shalt  }
0x84: {  	_ =	shalt  }
0x85: {  	_ =	shalt  }
0x86: {  	_ =	shalt  }
0x87: {  	_ =	shalt  }
.Lfunc_end0:
.L_simem_size_0:
called_computation.1_lowered:
.L_overlay_start_0:
0x88: {  	s2 =	sld [smem:$0x3FD9]  }
0x89: {  	s3 =	sld [smem:$0x3FFE];
	_ =	sdelay $0x1  }
0x8a: {  	s1 =	srdreg.scid  }
0x8b: {  	s0 =	sand.u32 $0x1, s1  }
0x8c: {  	s16 =	sshll.u32 s0, $0xA;
	s2 =	sadd.s32 s3, s2  }
0x8d: {  	s2 =	sadd.s32 s2, s16  }
0x8e: {  	[smem:$0x3FBF] =	sst s2  }
0x8f: {  	_ = 	snop  }
0x90: {  	(tm) =	ssettm $0x1  }
0x91: {  	s17 =	sld [smem:$0x3FFB];
	_ =	sdelay $0x3  }
0x92: {  	_ =	strace s17  }
0x93: {  	s2 =	sld [smem:$0x3FFC];
	_ =	sdelay $0x3  }
0x94: {  	_ =	strace s2  }
0x95: {  	s2 =	sld [smem:$0x3FFD];
	_ =	sdelay $0x3  }
0x96: {  	_ =	strace s2  }
0x97: {  	_ =	strace $0x8FFFFFFF  }
0x98: {  	s18 =	sld [smem:$0x3FDB];
	_ =	sdelay $0x1  }
0x99: {  	s19 =	simm.s32 $_scs_section_size  }
0x9a: {  	s4 =	simm.s32 $_size__tile_overlayer_lowered;
	s5 =	simm.s32 $_tile_overlayer_lowered  }
0x9b: {  	s22 =	simm.s32 $0x1BFF;
	s21 =	sshll.u32 s5, $0x1;
	s2 =	sadd.s32 s19, s18  }
0x9c: {  	s6 =	simm.s32 $0x0;
	s20 =	sshll.u32 s4, $0x1;
	s4 =	sadd.s32 s21, s2  }
0x9d: {  	[timem:s6], [sflag:s22] =	dma.local [hbm:s4], s20  }
0x9e: {  	_ =	swait.ge [sflag:s22], s20  }
0x9f: {  	s3 =	ssub.s32 $0x0, s20;
	[sflag:s22] =	ssyncset.done $0x0  }
0xa0: {  	[sflag:s22] =	ssyncadd.s32 s3;
	_ =	sdelay $0x1  }
0xa1: {  	s23 =	simm.s32 $0x1B8B  }
0xa2: {  	_ =	swait.ge [sflag:s23], $0x1  }
0xa3: {  	[sflag:s23] =	ssyncset.done $0x0  }
0xa4: {  	s25 =	simm.s32 $0x1B8E;
	s24 =	sld [smem:$0x3FFE];
	[sflag:s23] =	ssyncadd.s32 $0xFFFFFFFF  }
0xa5: {  	s26 =	simm.s32 $execute0_lowered;
	[smem:$0x3FD2] =	sst s25  }
0xa6: {  	s4 =	sshll.u32 s26, $0x1;
	_ =	strace $0x80000046;
	[dreg:$0x1] =	wrdreg $0xFFFFFFFF  }
0xa7: {  	s28 =	simm.s32 $_size_execute0_lowered;
	s2 =	sadd.s32 s2, s4;
	[dreg:$0x0] =	wrdreg $0x0  }
0xa8: {  	s4 =	sshll.u32 s28, $0x1;
	[dreg:$0x2] =	wrdreg s2  }
0xa9: {  	[dreg:$0x3] =	wrdreg s4  }
0xaa: {  	[dreg:$0x4] =	wrdreg $0xC0  }
0xab: {  	_ =	task [dreg:s6], $0x5FFFF  }
0xac: {  	[dreg:$0x1] =	wrdreg $0xFFFFFFFF  }
0xad: {  	[dreg:$0x0] =	wrdreg $0x60  }
0xae: {  	[dreg:$0x2] =	wrdreg s24  }
0xaf: {  	[dreg:$0x3] =	wrdreg $0xA  }
0xb0: {  	_ =	task.clear_ibuf [dreg:s6], $0x4FFFF;
	_ =	strace $0x90000046  }
0xb1: {  	s29 =	simm.s32 $0xA;
	_ =	strace $0x80000048  }
0xb2: {  	_ =	swait.ge [sflag:s29], $0x1  }
0xb3: {  	[sflag:s29] =	ssyncadd.s32 $0xFFFFFFFF  }
0xb4: {  	_ =	strace $0x90000048  }
0xb5: {  	_ =	sfence  }
0xb6: {  	s30 =	sld [smem:$0x0];
	_ =	sdelay $0x2  }
0xb7: {  	s31 =	sshll.u32 s1, $0xD;
	s1 =	sshrl.u32 s1, $0x2  }
0xb8: {  	s3 =	sand.u32 $0x4000, s31;
	s1 =	sadd.s32 s1, s30  }
0xb9: {  	s0 =	sor.u32 s3, s0;
	s1 =	sshll.u32 s1, $0x11  }
0xba: {  	s0 =	sor.u32 s1, s0  }
0xbb: {  	s0 =	sadd.s32 $0x8F2B, s0  }
0xbc: {  	[sflag:s0] =	ssyncadd.remote.s32 $0x1  }
0xbd: {  	_ =	sfence.sel $0xFFFF  }
0xbe: {  	[dreg:$0x0] =	wrdreg $0xFFFFFFFF;
	(pc) =	sbr.abs _section_cstart, $3  }
0xbf: {  	[dreg:$0x1] =	wrdreg $0xFFFFFFFF  }
0xc0: {  	_ =	task.clear_ibuf [dreg:s6], $0x2FFFF;
	_ =	strace $0x9FFFFFFF  }
0xc1: {  	(tm) =	ssettm $0x7FFFFFFF  }
tec
execute0_lowered:
.L_overlay_start_1:
0x0: {  	(tag) =	ssettag $0x1  }
0x1: {  	s3 =	rddreg [dreg:$0x0]  }
0x2: {  	s0 =	rddreg [dreg:$0x1]  }
0x3: {  	s1 =	simm.s32 $0x0;
	s4 =	srdreg.scid;
	s10 =	simm.s32 $0x1000  }
0x4: {  	s11 =	simm.s32 $0x80;
	s12 =	simm.s32 $0x2000;
	s13 =	simm.s32 $0x48  }
0x5: {  	s14 =	simm.s32 $0x3000;
	s15 =	simm.s32 $0x3900;
	s16 =	simm.s32 $0x1080  }
0x6: {  	s17 =	simm.s32 $0x4900;
	s18 =	simm.s32 $0x1;
	s19 =	simm.s32 $0x2  }
0x7: {  	s20 =	simm.s32 $0x5200;
	s21 =	simm.s32 $0x0;
	[smem:$0x7FF] =	sst s1  }
0x8: {  	s2 =	sadd.s32 $0x101C00, s3;
	s7 =	sand.u32 $0x1, s4;
	s4 =	sadd.s32 $0x141C00, s3  }
0x9: {  	s5 =	sadd.s32 $0x1044000, s3;
	s6 =	sadd.s32 $0x81C00, s3;
	s8 =	ssub.s32 $0x2, s7  }
0xa: {  	s3 =	stileid.u32;
	_ =	strace $0x80000047;
	s9 =	sshrl.u32 s8, $0x1  }
0xb: {  	s31 =	sshll.u32 s3, $0xA;
	s7 =	sshll.u32 s7, $0x9;
	s8 =	ssub.s32 s8, s9  }
0xc: {  	s7 =	sor.u32 s7, s31;
	s9 =	simm.s32 $0x3;
	s8 =	smax.u32 s8, $0x1  }
.LBB2_1:
0xd: {  	s22 =	simm.s32 $0x0  }
.LBB2_2:
0xe: {  	s23 =	sshll.u32 s22, $0x5  }
0xf: {  	s23 =	sadd.s32 s7, s23  }
0x10: {  	s25 =	sshll.u32 s23, $0x4  }
0x11: {  	s24 =	simm.s32 $0x0;
	s26 =	sadd.s32 s2, s25  }
0x12: {  	[tilespmem:s24], [sflag:$0x3] =	stream.linear.gather [hbm4b:s26+s24], $0x1000, $0x38;
	[tilespmem:$0x5600] =	vst v63  }
0x13: {  	_ =	swait.ge [sflag:s9], $0x1000  }
0x14: {  	[sflag:s9] =	ssyncset.done $0x0  }
0x15: {  	s25 =	sadd.s32 s4, s25;
	[sflag:s9] =	ssyncadd.s32 $0xFFFFF000  }
0x16: {  	[tilespmem:s10], [sflag:$0x3] =	stream.linear.gather [hbm4b:s25+s24], $0x1000, $0x38;
	[tilespmem:$0x5600] =	vst v63  }
0x17: {  	_ =	swait.ge [sflag:s9], $0x1000  }
0x18: {  	[sflag:s9] =	ssyncset.done $0x0  }
0x19: {  	[sflag:s9] =	ssyncadd.s32 $0xFFFFF000  }
0x1a: {  	[tilespmem:s12], [sflag:$0x1] =	stream.indirect.gather [hbm4b:s5+s11], $0x20, s24, s11, $0xb8;
	[tilespmem:$0x5600] =	vst v63  }
0x1b: {  	_ = 	snop  }
0x1c: {  	[tilespmem:s14], [sflag:$0x1] =	stream.indirect.gather [hbm4b:s5+s13], $0x20, s10, s13, $0xb8;
	[tilespmem:$0x5600] =	vst v63  }
0x1d: {  	_ = 	snop  }
0x1e: {  	[tilespmem:s15], [sflag:$0x2] =	stream.indirect.gather [hbm4b:s5+s11], $0x20, s11, s11, $0xb8;
	[tilespmem:$0x5600] =	vst v63  }
0x1f: {  	_ = 	snop  }
0x20: {  	[tilespmem:s17], [sflag:$0x2] =	stream.indirect.gather [hbm4b:s5+s13], $0x20, s16, s13, $0xb8;
	[tilespmem:$0x5600] =	vst v63  }
.LBB2_3:
0x21: {  	_ =	swait.ge [sflag:s18], $0x1000  }
0x22: {  	[sflag:s18] =	ssyncset.done $0x0  }
0x23: {  	[sflag:s18] =	ssyncadd.s32 $0xFFFFF000  }
0x24: {  	_ =	swait.ge [sflag:s18], $0x900  }
0x25: {  	[sflag:s18] =	ssyncset.done $0x0  }
0x26: {  	s26 =	simm.s32 $0x2080;
	[sflag:s18] =	ssyncadd.s32 $0xFFFFF700  }
0x27: {  	v0 =	vld [tilespmem:s26+$0xFFFFFF80]  }
0x28: {  	v1 =	vld [tilespmem:s26+$0xFFFFFF90]  }
0x29: {  	v2 =	vld [tilespmem:s26+$0xFFFFFFA0]  }
0x2a: {  	v3 =	vld [tilespmem:s26+$0xFFFFFFB0]  }
0x2b: {  	v4 =	vld [tilespmem:s26+$0xFFFFFFC0]  }
0x2c: {  	v6 =	vimm.f32 $0.0e+00;
	v5 =	vld [tilespmem:s26+$0xFFFFFFD0]  }
0x2d: {  	v7 =	vld [tilespmem:s26+$0xFFFFFFE0];
	v0 =	vadd.f32 v0, v6;
	v1 =	vadd.f32 v1, v6  }
0x2e: {  	v6 =	vld [tilespmem:s26+$0xFFFFFFF0]  }
0x2f: {  	v8 =	vld [tilespmem:s26+$0x0];
	v2 =	vadd.f32 v2, v0;
	v1 =	vadd.f32 v3, v1  }
0x30: {  	v9 =	vld [tilespmem:s26+$0x10]  }
0x31: {  	v0 =	vld [tilespmem:s26+$0x20];
	v2 =	vadd.f32 v4, v2;
	v4 =	vadd.f32 v5, v1  }
0x32: {  	v3 =	vld [tilespmem:s26+$0x30]  }
0x33: {  	v1 =	vld [tilespmem:s26+$0x40];
	v5 =	vadd.f32 v7, v2;
	v7 =	vadd.f32 v6, v4  }
0x34: {  	v4 =	vld [tilespmem:s26+$0x50]  }
0x35: {  	v2 =	vld [tilespmem:s26+$0x60];
	v6 =	vadd.f32 v8, v5;
	v7 =	vadd.f32 v9, v7  }
0x36: {  	s25 =	simm.s32 $0x0;
	v5 =	vld [tilespmem:s26+$0x70];
	s26 =	simm.s32 $0x2180  }
.LBB2_4:
0x37: {  	v8 =	vld [tilespmem:s26+$0xFFFFFF80];
	v0 =	vadd.f32 v0, v6;
	v3 =	vadd.f32 v3, v7  }
0x38: {  	s25 =	sadd.s32 $0x8, s25;
	v6 =	vld [tilespmem:s26+$0xFFFFFF90]  }
0x39: {  	p0 =	slt.u32 s25, $0xC0;
	v7 =	vld [tilespmem:s26+$0xFFFFFFA0];
	v0 =	vadd.f32 v1, v0;
	v1 =	vadd.f32 v4, v3  }
0x3a: {  	v3 =	vld [tilespmem:s26+$0xFFFFFFB0]  }
0x3b: {  	v4 =	vld [tilespmem:s26+$0xFFFFFFC0];
	v0 =	vadd.f32 v2, v0;
	v1 =	vadd.f32 v5, v1  }
0x3c: {  	v2 =	vld [tilespmem:s26+$0xFFFFFFD0]  }
0x3d: {  	v0 =	vadd.f32 v8, v0;
	v1 =	vadd.f32 v6, v1;
	v5 =	vld [tilespmem:s26+$0xFFFFFFE0]  }
0x3e: {  	v6 =	vld [tilespmem:s26+$0xFFFFFFF0]  }
0x3f: {  	v0 =	vadd.f32 v7, v0;
	v1 =	vadd.f32 v3, v1;
	v7 =	vld [tilespmem:s26+$0x0]  }
0x40: {  	v8 =	vld [tilespmem:s26+$0x10]  }
0x41: {  	v4 =	vadd.f32 v4, v0;
	v1 =	vadd.f32 v2, v1;
	v0 =	vld [tilespmem:s26+$0x20]  }
.Ltmp0:
0x42: {  	v3 =	vld [tilespmem:s26+$0x30];
	(pc) =	sbr.rel @p0 .LBB2_4-.Ltmp0, $4  }
0x43: {  	v2 =	vadd.f32 v5, v4;
	v5 =	vadd.f32 v6, v1;
	v1 =	vld [tilespmem:s26+$0x40]  }
0x44: {  	v4 =	vld [tilespmem:s26+$0x50]  }
0x45: {  	v6 =	vadd.f32 v7, v2;
	v7 =	vadd.f32 v8, v5;
	v2 =	vld [tilespmem:s26+$0x60]  }
0x46: {  	v5 =	vld [tilespmem:s26+$0x70];
	s26 =	sadd.s32 $0x100, s26  }
0x47: {  	v0 =	vadd.f32 v0, v6  }
0x48: {  	v3 =	vadd.f32 v3, v7  }
0x49: {  	v0 =	vadd.f32 v1, v0  }
0x4a: {  	v1 =	vadd.f32 v4, v3  }
0x4b: {  	s25 =	sshll.u32 s24, $0x8;
	v0 =	vadd.f32 v2, v0  }
0x4c: {  	s26 =	sshrl.u32 s25, $0x2;
	v1 =	vadd.f32 v5, v1  }
0x4d: {  	[tilespmem:s26+$0x5200] =	vst v0  }
0x4e: {  	s28 =	sadd.s32 $0x100, s25;
	[tilespmem:s26+$0x5210] =	vst v1  }
0x4f: {  	[tilespmem:s12], [sflag:$0x1] =	stream.indirect.gather [hbm4b:s5+s11], $0x20, s28, s11, $0xb8;
	[tilespmem:$0x5600] =	vst v63  }
0x50: {  	s28 =	sadd.s32 $0x1100, s25  }
0x51: {  	[tilespmem:s14], [sflag:$0x1] =	stream.indirect.gather [hbm4b:s5+s13], $0x20, s28, s13, $0xb8;
	[tilespmem:$0x5600] =	vst v63  }
0x52: {  	_ =	swait.ge [sflag:s19], $0x1000  }
0x53: {  	[sflag:s19] =	ssyncset.done $0x0  }
0x54: {  	[sflag:s19] =	ssyncadd.s32 $0xFFFFF000  }
0x55: {  	_ =	swait.ge [sflag:s19], $0x900  }
0x56: {  	[sflag:s19] =	ssyncset.done $0x0  }
0x57: {  	s29 =	simm.s32 $0x3980;
	[sflag:s19] =	ssyncadd.s32 $0xFFFFF700  }
0x58: {  	v0 =	vld [tilespmem:s29+$0xFFFFFF80]  }
0x59: {  	v1 =	vld [tilespmem:s29+$0xFFFFFF90]  }
0x5a: {  	v2 =	vld [tilespmem:s29+$0xFFFFFFA0]  }
0x5b: {  	v3 =	vld [tilespmem:s29+$0xFFFFFFB0]  }
0x5c: {  	v4 =	vld [tilespmem:s29+$0xFFFFFFC0]  }
0x5d: {  	v6 =	vimm.f32 $0.0e+00;
	v5 =	vld [tilespmem:s29+$0xFFFFFFD0]  }
0x5e: {  	v7 =	vld [tilespmem:s29+$0xFFFFFFE0];
	v0 =	vadd.f32 v0, v6;
	v1 =	vadd.f32 v1, v6  }
0x5f: {  	v6 =	vld [tilespmem:s29+$0xFFFFFFF0]  }
0x60: {  	v8 =	vld [tilespmem:s29+$0x0];
	v2 =	vadd.f32 v2, v0;
	v1 =	vadd.f32 v3, v1  }
0x61: {  	v9 =	vld [tilespmem:s29+$0x10]  }
0x62: {  	v0 =	vld [tilespmem:s29+$0x20];
	v2 =	vadd.f32 v4, v2;
	v4 =	vadd.f32 v5, v1  }
0x63: {  	v3 =	vld [tilespmem:s29+$0x30]  }
0x64: {  	v1 =	vld [tilespmem:s29+$0x40];
	v5 =	vadd.f32 v7, v2;
	v7 =	vadd.f32 v6, v4  }
0x65: {  	v4 =	vld [tilespmem:s29+$0x50]  }
0x66: {  	v2 =	vld [tilespmem:s29+$0x60];
	v6 =	vadd.f32 v8, v5;
	v7 =	vadd.f32 v9, v7  }
0x67: {  	s28 =	simm.s32 $0x0;
	v5 =	vld [tilespmem:s29+$0x70];
	s29 =	simm.s32 $0x3A80  }
.LBB2_6:
0x68: {  	v8 =	vld [tilespmem:s29+$0xFFFFFF80];
	v0 =	vadd.f32 v0, v6;
	v3 =	vadd.f32 v3, v7  }
0x69: {  	s28 =	sadd.s32 $0x8, s28;
	v6 =	vld [tilespmem:s29+$0xFFFFFF90]  }
0x6a: {  	p0 =	slt.u32 s28, $0xC0;
	v7 =	vld [tilespmem:s29+$0xFFFFFFA0];
	v0 =	vadd.f32 v1, v0;
	v1 =	vadd.f32 v4, v3  }
0x6b: {  	v3 =	vld [tilespmem:s29+$0xFFFFFFB0]  }
0x6c: {  	v4 =	vld [tilespmem:s29+$0xFFFFFFC0];
	v0 =	vadd.f32 v2, v0;
	v1 =	vadd.f32 v5, v1  }
0x6d: {  	v2 =	vld [tilespmem:s29+$0xFFFFFFD0]  }
0x6e: {  	v0 =	vadd.f32 v8, v0;
	v1 =	vadd.f32 v6, v1;
	v5 =	vld [tilespmem:s29+$0xFFFFFFE0]  }
0x6f: {  	v6 =	vld [tilespmem:s29+$0xFFFFFFF0]  }
0x70: {  	v0 =	vadd.f32 v7, v0;
	v1 =	vadd.f32 v3, v1;
	v7 =	vld [tilespmem:s29+$0x0]  }
0x71: {  	v8 =	vld [tilespmem:s29+$0x10]  }
0x72: {  	v4 =	vadd.f32 v4, v0;
	v1 =	vadd.f32 v2, v1;
	v0 =	vld [tilespmem:s29+$0x20]  }
.Ltmp1:
0x73: {  	v3 =	vld [tilespmem:s29+$0x30];
	(pc) =	sbr.rel @p0 .LBB2_6-.Ltmp1, $4  }
0x74: {  	v2 =	vadd.f32 v5, v4;
	v5 =	vadd.f32 v6, v1;
	v1 =	vld [tilespmem:s29+$0x40]  }
0x75: {  	v4 =	vld [tilespmem:s29+$0x50]  }
0x76: {  	v6 =	vadd.f32 v7, v2;
	v7 =	vadd.f32 v8, v5;
	v2 =	vld [tilespmem:s29+$0x60]  }
0x77: {  	v5 =	vld [tilespmem:s29+$0x70];
	s29 =	sadd.s32 $0x100, s29  }
0x78: {  	v0 =	vadd.f32 v0, v6  }
0x79: {  	v3 =	vadd.f32 v3, v7  }
0x7a: {  	v0 =	vadd.f32 v1, v0  }
0x7b: {  	v63 =	vadd.f32 v4, v3  }
0x7c: {  	s24 =	sadd.s32 $0x1, s24;
	v0 =	vadd.f32 v2, v0  }
0x7d: {  	p0 =	sne.s32 s24, $0xF;
	v1 =	vadd.f32 v5, v63  }
.Ltmp2:
0x7e: {  	[tilespmem:s26+$0x5220] =	vst v0;
	(pc) =	sbr.rel @p0 .LBB2_3-.Ltmp2, $4  }
0x7f: {  	s30 =	sadd.s32 $0x180, s25;
	[tilespmem:s26+$0x5230] =	vst v1  }
0x80: {  	[tilespmem:s15], [sflag:$0x2] =	stream.indirect.gather [hbm4b:s5+s11], $0x20, s30, s11, $0xb8;
	[tilespmem:$0x5600] =	vst v63  }
0x81: {  	s31 =	sadd.s32 $0x1180, s25  }
0x82: {  	[tilespmem:s17], [sflag:$0x2] =	stream.indirect.gather [hbm4b:s5+s13], $0x20, s31, s13, $0xb8;
	[tilespmem:$0x5600] =	vst v63  }
0x83: {  	_ =	swait.ge [sflag:s18], $0x1000  }
0x84: {  	[sflag:s18] =	ssyncset.done $0x0  }
0x85: {  	[sflag:s18] =	ssyncadd.s32 $0xFFFFF000  }
0x86: {  	_ =	swait.ge [sflag:s18], $0x900  }
0x87: {  	[sflag:s18] =	ssyncset.done $0x0  }
0x88: {  	s25 =	simm.s32 $0x2080;
	[sflag:s18] =	ssyncadd.s32 $0xFFFFF700  }
0x89: {  	v0 =	vld [tilespmem:s25+$0xFFFFFF80]  }
0x8a: {  	v1 =	vld [tilespmem:s25+$0xFFFFFF90]  }
0x8b: {  	v2 =	vld [tilespmem:s25+$0xFFFFFFA0]  }
0x8c: {  	v3 =	vld [tilespmem:s25+$0xFFFFFFB0]  }
0x8d: {  	v4 =	vld [tilespmem:s25+$0xFFFFFFC0]  }
0x8e: {  	v6 =	vimm.f32 $0.0e+00;
	v5 =	vld [tilespmem:s25+$0xFFFFFFD0]  }
0x8f: {  	v7 =	vld [tilespmem:s25+$0xFFFFFFE0];
	v0 =	vadd.f32 v0, v6;
	v1 =	vadd.f32 v1, v6  }
0x90: {  	v6 =	vld [tilespmem:s25+$0xFFFFFFF0]  }
0x91: {  	v8 =	vld [tilespmem:s25+$0x0];
	v2 =	vadd.f32 v2, v0;
	v1 =	vadd.f32 v3, v1  }
0x92: {  	v9 =	vld [tilespmem:s25+$0x10]  }
0x93: {  	v0 =	vld [tilespmem:s25+$0x20];
	v2 =	vadd.f32 v4, v2;
	v4 =	vadd.f32 v5, v1  }
0x94: {  	v3 =	vld [tilespmem:s25+$0x30]  }
0x95: {  	v1 =	vld [tilespmem:s25+$0x40];
	v5 =	vadd.f32 v7, v2;
	v7 =	vadd.f32 v6, v4  }
0x96: {  	v4 =	vld [tilespmem:s25+$0x50]  }
0x97: {  	v2 =	vld [tilespmem:s25+$0x60];
	v6 =	vadd.f32 v8, v5;
	v7 =	vadd.f32 v9, v7  }
0x98: {  	s24 =	simm.s32 $0x0;
	v5 =	vld [tilespmem:s25+$0x70];
	s25 =	simm.s32 $0x2180  }
.LBB2_9:
0x99: {  	v8 =	vld [tilespmem:s25+$0xFFFFFF80];
	v0 =	vadd.f32 v0, v6;
	v3 =	vadd.f32 v3, v7  }
0x9a: {  	s24 =	sadd.s32 $0x8, s24;
	v6 =	vld [tilespmem:s25+$0xFFFFFF90]  }
0x9b: {  	p0 =	slt.u32 s24, $0xC0;
	v7 =	vld [tilespmem:s25+$0xFFFFFFA0];
	v0 =	vadd.f32 v1, v0;
	v1 =	vadd.f32 v4, v3  }
0x9c: {  	v3 =	vld [tilespmem:s25+$0xFFFFFFB0]  }
0x9d: {  	v4 =	vld [tilespmem:s25+$0xFFFFFFC0];
	v0 =	vadd.f32 v2, v0;
	v1 =	vadd.f32 v5, v1  }
0x9e: {  	v2 =	vld [tilespmem:s25+$0xFFFFFFD0]  }
0x9f: {  	v0 =	vadd.f32 v8, v0;
	v1 =	vadd.f32 v6, v1;
	v5 =	vld [tilespmem:s25+$0xFFFFFFE0]  }
0xa0: {  	v6 =	vld [tilespmem:s25+$0xFFFFFFF0]  }
0xa1: {  	v0 =	vadd.f32 v7, v0;
	v1 =	vadd.f32 v3, v1;
	v7 =	vld [tilespmem:s25+$0x0]  }
0xa2: {  	v8 =	vld [tilespmem:s25+$0x10]  }
0xa3: {  	v4 =	vadd.f32 v4, v0;
	v1 =	vadd.f32 v2, v1;
	v0 =	vld [tilespmem:s25+$0x20]  }
.Ltmp3:
0xa4: {  	v3 =	vld [tilespmem:s25+$0x30];
	(pc) =	sbr.rel @p0 .LBB2_9-.Ltmp3, $4  }
0xa5: {  	v2 =	vadd.f32 v5, v4;
	v5 =	vadd.f32 v6, v1;
	v1 =	vld [tilespmem:s25+$0x40]  }
0xa6: {  	v4 =	vld [tilespmem:s25+$0x50]  }
0xa7: {  	v6 =	vadd.f32 v7, v2;
	v7 =	vadd.f32 v8, v5;
	v2 =	vld [tilespmem:s25+$0x60]  }
0xa8: {  	v5 =	vld [tilespmem:s25+$0x70];
	s25 =	sadd.s32 $0x100, s25  }
0xa9: {  	v0 =	vadd.f32 v0, v6  }
0xaa: {  	v3 =	vadd.f32 v3, v7  }
0xab: {  	v0 =	vadd.f32 v1, v0  }
0xac: {  	v1 =	vadd.f32 v4, v3  }
0xad: {  	v0 =	vadd.f32 v2, v0  }
0xae: {  	v1 =	vadd.f32 v5, v1  }
0xaf: {  	[tilespmem:$0x55C0] =	vst v0  }
0xb0: {  	[tilespmem:$0x55D0] =	vst v1  }
0xb1: {  	_ =	swait.ge [sflag:s19], $0x1000  }
0xb2: {  	[sflag:s19] =	ssyncset.done $0x0  }
0xb3: {  	[sflag:s19] =	ssyncadd.s32 $0xFFFFF000  }
0xb4: {  	_ =	swait.ge [sflag:s19], $0x900  }
0xb5: {  	[sflag:s19] =	ssyncset.done $0x0  }
0xb6: {  	s25 =	simm.s32 $0x3980;
	[sflag:s19] =	ssyncadd.s32 $0xFFFFF700  }
0xb7: {  	v0 =	vld [tilespmem:s25+$0xFFFFFF80]  }
0xb8: {  	v1 =	vld [tilespmem:s25+$0xFFFFFF90]  }
0xb9: {  	v2 =	vld [tilespmem:s25+$0xFFFFFFA0]  }
0xba: {  	v3 =	vld [tilespmem:s25+$0xFFFFFFB0]  }
0xbb: {  	v4 =	vld [tilespmem:s25+$0xFFFFFFC0]  }
0xbc: {  	v6 =	vimm.f32 $0.0e+00;
	v5 =	vld [tilespmem:s25+$0xFFFFFFD0]  }
0xbd: {  	v7 =	vld [tilespmem:s25+$0xFFFFFFE0];
	v0 =	vadd.f32 v0, v6;
	v1 =	vadd.f32 v1, v6  }
0xbe: {  	v6 =	vld [tilespmem:s25+$0xFFFFFFF0]  }
0xbf: {  	v8 =	vld [tilespmem:s25+$0x0];
	v2 =	vadd.f32 v2, v0;
	v1 =	vadd.f32 v3, v1  }
0xc0: {  	v9 =	vld [tilespmem:s25+$0x10]  }
0xc1: {  	v0 =	vld [tilespmem:s25+$0x20];
	v2 =	vadd.f32 v4, v2;
	v4 =	vadd.f32 v5, v1  }
0xc2: {  	v3 =	vld [tilespmem:s25+$0x30]  }
0xc3: {  	v1 =	vld [tilespmem:s25+$0x40];
	v5 =	vadd.f32 v7, v2;
	v7 =	vadd.f32 v6, v4  }
0xc4: {  	v4 =	vld [tilespmem:s25+$0x50]  }
0xc5: {  	v2 =	vld [tilespmem:s25+$0x60];
	v6 =	vadd.f32 v8, v5;
	v7 =	vadd.f32 v9, v7  }
0xc6: {  	s24 =	simm.s32 $0x0;
	v5 =	vld [tilespmem:s25+$0x70];
	s25 =	simm.s32 $0x3A80  }
.LBB2_11:
0xc7: {  	v8 =	vld [tilespmem:s25+$0xFFFFFF80];
	v0 =	vadd.f32 v0, v6;
	v3 =	vadd.f32 v3, v7  }
0xc8: {  	s24 =	sadd.s32 $0x8, s24;
	v6 =	vld [tilespmem:s25+$0xFFFFFF90]  }
0xc9: {  	p0 =	slt.u32 s24, $0xC0;
	v7 =	vld [tilespmem:s25+$0xFFFFFFA0];
	v0 =	vadd.f32 v1, v0;
	v1 =	vadd.f32 v4, v3  }
0xca: {  	v3 =	vld [tilespmem:s25+$0xFFFFFFB0]  }
0xcb: {  	v4 =	vld [tilespmem:s25+$0xFFFFFFC0];
	v0 =	vadd.f32 v2, v0;
	v1 =	vadd.f32 v5, v1  }
0xcc: {  	v2 =	vld [tilespmem:s25+$0xFFFFFFD0]  }
0xcd: {  	v0 =	vadd.f32 v8, v0;
	v1 =	vadd.f32 v6, v1;
	v5 =	vld [tilespmem:s25+$0xFFFFFFE0]  }
0xce: {  	v6 =	vld [tilespmem:s25+$0xFFFFFFF0]  }
0xcf: {  	v0 =	vadd.f32 v7, v0;
	v1 =	vadd.f32 v3, v1;
	v7 =	vld [tilespmem:s25+$0x0]  }
0xd0: {  	v8 =	vld [tilespmem:s25+$0x10]  }
0xd1: {  	v4 =	vadd.f32 v4, v0;
	v1 =	vadd.f32 v2, v1;
	v0 =	vld [tilespmem:s25+$0x20]  }
.Ltmp4:
0xd2: {  	v3 =	vld [tilespmem:s25+$0x30];
	(pc) =	sbr.rel @p0 .LBB2_11-.Ltmp4, $4  }
0xd3: {  	v2 =	vadd.f32 v5, v4;
	v5 =	vadd.f32 v6, v1;
	v1 =	vld [tilespmem:s25+$0x40]  }
0xd4: {  	v4 =	vld [tilespmem:s25+$0x50]  }
0xd5: {  	v6 =	vadd.f32 v7, v2;
	v7 =	vadd.f32 v8, v5;
	v2 =	vld [tilespmem:s25+$0x60]  }
0xd6: {  	v5 =	vld [tilespmem:s25+$0x70];
	s25 =	sadd.s32 $0x100, s25  }
0xd7: {  	v0 =	vadd.f32 v0, v6  }
0xd8: {  	v3 =	vadd.f32 v3, v7  }
0xd9: {  	v0 =	vadd.f32 v1, v0  }
0xda: {  	v63 =	vadd.f32 v4, v3  }
0xdb: {  	v0 =	vadd.f32 v2, v0  }
0xdc: {  	s22 =	sadd.s32 $0x1, s22;
	v1 =	vadd.f32 v5, v63  }
0xdd: {  	s23 =	sshll.u32 s23, $0x2;
	p0 =	sne.s32 s22, $0x10;
	[tilespmem:$0x55E0] =	vst v0  }
.Ltmp5:
0xde: {  	s23 =	sadd.s32 s6, s23;
	[tilespmem:$0x55F0] =	vst v1;
	(pc) =	sbr.rel @p0 .LBB2_2-.Ltmp5, $4  }
0xdf: {  	[hbm4b:s23+s1] =	stream.linear.scatter [tilespmem:s20], [sflag:$0x3], $0x400, $0x38;
	[tilespmem:$0x5600] =	vst v63  }
0xe0: {  	_ =	swait.ge [sflag:s9], $0x400  }
0xe1: {  	[sflag:s9] =	ssyncset.done $0x0  }
0xe2: {  	[sflag:s9] =	ssyncadd.s32 $0xFFFFFC00  }
0xe3: {  	s21 =	sadd.s32 $0x1, s21  }
0xe4: {  	p0 =	sne.s32 s21, s8  }
.Ltmp6:
0xe5: {  	_ = 	snop;
	(pc) =	sbr.rel @p0 .LBB2_1-.Ltmp6, $1  }
0xe6: {  	_ =	sdelay $0x3  }
0xe7: {  	_ =	sfence.sel $0x180000  }
0xe8: {  	[bflag:$0x0] =	sbarrier.arrive $0xFFFF  }
0xe9: {  	p0 =	sne.s32 s3, $0x0;
	_ =	strace $0x90000047  }
0xea: {  	s0 =	sadd.s32 @!p0 $0x100000, s0;
	[bflag:$0x2] =	sbarrier.arrive $0xFFFF  }
0xeb: {  	[sflag:s0] =	ssyncadd.tile.s32 @!p0 $0x1;
	_ =	shalt  }
.Lfunc_end2:
_tile_overlayer_lowered:
.L_overlay_start_2:
0xec: {  	(tag) =	ssettag $0x2  }
0xed: {  	s0 =	rddreg [dreg:$0x0];
	s2 =	stileid.u32  }
0xee: {  	s1 =	rddreg [dreg:$0x1];
	p0 =	sne.s32 s2, $0x0  }
0xef: {  	s3 =	rddreg [dreg:$0x2];
	[bflag:$0x3] =	sbarrier.arrive $0xFFFF;
	s2 =	simm.s32 @!p0 $0x1C03  }
0xf0: {  	[timem:s3], [sflag:s2] =	dma.local @!p0 [hbm:s0], s1  }
0xf1: {  	s0 =	simm.s32 @!p0 $0x3  }
0xf2: {  	_ =	swait.ge @!p0 [sflag:s0], s1  }
0xf3: {  	s1 =	ssub.s32 @!p0 $0x0, s1;
	[sflag:s0] =	ssyncset.done @!p0 $0x0  }
0xf4: {  	[sflag:s0] =	ssyncadd.s32 @!p0 s1  }
0xf5: {  	[bflag:$0x3] =	sbarrier.arrive $0xFFFF  }
0xf6: {  	_ =	shalt  }

</sc_bundles>
